<compile_context>
chip_gen: v7x
topology: tpu7x:2x2x1
jax: 0.10.2.dev20260603
libtpu: 0.0.44.dev20260713+nightly
codegen_flags: <defaults>
</compile_context>

<pallas_src>
import functools

import jax
import jax.numpy as jnp
from jax import lax
from jax.experimental import pallas as pl
from jax.experimental.pallas import tpu as pltpu
from jax.experimental.pallas import tpu_sc as plsc

N = 10000
E = 320000
D = 128
G = 64

NC = 2
NS = 16
NW = NC * NS

CH = 128
HALF = 40
EPT = 2 * HALF * CH
PAD = EPT - E // NW

NACC = 10240
RPS = NACC // NS
ZR = 128

BN = 1000
NB = N // BN


def _sc_gather_scatter_add(m, idx5):
    mesh = plsc.VectorSubcoreMesh(core_axis_name="c", subcore_axis_name="s",
                                  num_cores=NC, num_subcores=NS)

    @functools.partial(
        pl.kernel,
        out_type=jax.ShapeDtypeStruct((NC, NACC, D), jnp.float32),
        mesh=mesh,
        scratch_types=[
            pltpu.VMEM((2, HALF, CH), jnp.int32),
            pltpu.VMEM((2 * CH, D), jnp.float32),
            pltpu.VMEM((32, D), jnp.float32),
            pltpu.VMEM_SHARED((NACC, D), jnp.float32),
            pltpu.SemaphoreType.DMA((2,)),
        ],
    )
    def k(m_hbm, idx_hbm, out_hbm, idxv, rows, zb, acc, gsems):
        c = lax.axis_index("c")
        s = lax.axis_index("s")
        wid = c * NS + s
        pltpu.sync_copy(idx_hbm.at[wid, 0], idxv)

        @pl.loop(0, 2)
        def _(j):
            pltpu.async_copy(m_hbm.at[idxv.at[0, j]],
                             rows.at[pl.ds((j & 1) * CH, CH), :],
                             gsems.at[j & 1])

        @pl.loop(0, 32)
        def _(i):
            for j16 in range(0, D, 16):
                zb[i, pl.ds(j16, 16)] = jnp.zeros((16,), jnp.float32)

        @pl.loop(0, RPS, step=32)
        def _(r):
            pltpu.sync_copy(zb, acc.at[pl.ds(s * RPS + r, 32), :])

        plsc.subcore_barrier()

        for h in range(2):
            if h > 0:
                pltpu.sync_copy(idx_hbm.at[wid, 1], idxv)

                @pl.loop(0, 2)
                def _(j):
                    pltpu.async_copy(m_hbm.at[idxv.at[0, j]],
                                     rows.at[pl.ds((j & 1) * CH, CH), :],
                                     gsems.at[j & 1])

            @pl.loop(0, HALF)
            def _(j):
                off = (j & 1) * CH
                pltpu.make_async_copy(m_hbm.at[idxv.at[0, j]],
                                      rows.at[pl.ds(off, CH), :],
                                      gsems.at[j & 1]).wait()
                pltpu.sync_copy(rows.at[pl.ds(off, CH), :],
                                acc.at[idxv.at[1, j]], add=True)

                @pl.when(j + 2 < HALF)
                def _():
                    pltpu.async_copy(m_hbm.at[idxv.at[0, j + 2]],
                                     rows.at[pl.ds(off, CH), :],
                                     gsems.at[j & 1])

        plsc.subcore_barrier()
        pltpu.sync_copy(acc.at[pl.ds(s * RPS, RPS), :],
                        out_hbm.at[c, pl.ds(s * RPS, RPS), :])

    return k(m, idx5)


def _tc_matmul(h, w):
    def body(h_ref, w_ref, o_ref):
        o_ref[...] = jnp.dot(h_ref[...], w_ref[...],
                             preferred_element_type=jnp.float32)

    return pl.pallas_call(
        body,
        grid=(NB,),
        in_specs=[pl.BlockSpec((BN, D), lambda i: (i, 0)),
                  pl.BlockSpec((D, D), lambda i: (0, 0))],
        out_specs=pl.BlockSpec((BN, D), lambda i: (i, 0)),
        out_shape=jax.ShapeDtypeStruct((N, D), jnp.float32),
    )(h, w)


def _gru_block(aggp_ref, h_ref, wi_ref, wh_ref, bi_ref, bh_ref):
    agg = aggp_ref[0] + aggp_ref[1]
    h = h_ref[...]
    gi = jnp.dot(agg, wi_ref[...], preferred_element_type=jnp.float32) + bi_ref[...]
    gh = jnp.dot(h, wh_ref[...], preferred_element_type=jnp.float32) + bh_ref[...]
    r = jax.nn.sigmoid(gi[:, :D] + gh[:, :D])
    z = jax.nn.sigmoid(gi[:, D:2 * D] + gh[:, D:2 * D])
    n = jnp.tanh(gi[:, 2 * D:] + r * gh[:, 2 * D:])
    return (1.0 - z) * n + z * h


def _tc_gru_next(aggp, h, wi_t, wh_t, bi, bh, w_next):
    def body(aggp_ref, h_ref, wi_ref, wh_ref, bi_ref, bh_ref, wn_ref,
             h_out, m_out):
        hn = _gru_block(aggp_ref, h_ref, wi_ref, wh_ref, bi_ref, bh_ref)
        h_out[...] = hn
        m_out[...] = jnp.dot(hn, wn_ref[...], preferred_element_type=jnp.float32)

    return pl.pallas_call(
        body,
        grid=(NB,),
        in_specs=[pl.BlockSpec((NC, BN, D), lambda i: (0, i, 0)),
                  pl.BlockSpec((BN, D), lambda i: (i, 0)),
                  pl.BlockSpec((D, 3 * D), lambda i: (0, 0)),
                  pl.BlockSpec((D, 3 * D), lambda i: (0, 0)),
                  pl.BlockSpec((1, 3 * D), lambda i: (0, 0)),
                  pl.BlockSpec((1, 3 * D), lambda i: (0, 0)),
                  pl.BlockSpec((D, D), lambda i: (0, 0))],
        out_specs=[pl.BlockSpec((BN, D), lambda i: (i, 0)),
                   pl.BlockSpec((BN, D), lambda i: (i, 0))],
        out_shape=[jax.ShapeDtypeStruct((N, D), jnp.float32),
                   jax.ShapeDtypeStruct((N, D), jnp.float32)],
    )(aggp, h, wi_t, wh_t, bi, bh, w_next)


def _tc_gru_pool(aggp, h, wi_t, wh_t, bi, bh, batch3):
    def body(aggp_ref, h_ref, wi_ref, wh_ref, bi_ref, bh_ref, b_ref,
             out_ref, sums, cnts):
        i = pl.program_id(0)

        @pl.when(i == 0)
        def _():
            sums[...] = jnp.zeros_like(sums)
            cnts[...] = jnp.zeros_like(cnts)

        hn = _gru_block(aggp_ref, h_ref, wi_ref, wh_ref, bi_ref, bh_ref)
        hr = jnp.maximum(hn, 0.0)
        ids = b_ref[...].reshape(1, BN)
        oh = (lax.broadcasted_iota(jnp.int32, (G, BN), 0) == ids)
        oh = oh.astype(jnp.float32)
        sums[...] += jnp.dot(oh, hr, preferred_element_type=jnp.float32)
        cnts[...] += jnp.dot(oh, jnp.ones((BN, D), jnp.float32),
                             preferred_element_type=jnp.float32)

        @pl.when(i == NB - 1)
        def _():
            out_ref[...] = sums[...] / jnp.maximum(cnts[...], 1.0)

    return pl.pallas_call(
        body,
        grid=(NB,),
        in_specs=[pl.BlockSpec((NC, BN, D), lambda i: (0, i, 0)),
                  pl.BlockSpec((BN, D), lambda i: (i, 0)),
                  pl.BlockSpec((D, 3 * D), lambda i: (0, 0)),
                  pl.BlockSpec((D, 3 * D), lambda i: (0, 0)),
                  pl.BlockSpec((1, 3 * D), lambda i: (0, 0)),
                  pl.BlockSpec((1, 3 * D), lambda i: (0, 0)),
                  pl.BlockSpec((1, 1, BN), lambda i: (i, 0, 0))],
        out_specs=pl.BlockSpec((G, D), lambda i: (0, 0)),
        out_shape=jax.ShapeDtypeStruct((G, D), jnp.float32),
        scratch_shapes=[pltpu.VMEM((G, D), jnp.float32),
                        pltpu.VMEM((G, D), jnp.float32)],
    )(aggp, h, wi_t, wh_t, bi, bh, batch3)


def kernel(x, edge_index, batch, weight, w_ih, w_hh, b_ih, b_hh):
    srcp = jnp.pad(edge_index[0].reshape(NW, E // NW), ((0, 0), (0, PAD)))
    dstp = jnp.pad(edge_index[1].reshape(NW, E // NW), ((0, 0), (0, PAD)),
                   constant_values=N)
    idx5 = jnp.stack([srcp.reshape(NW, 2, HALF, CH),
                      dstp.reshape(NW, 2, HALF, CH)], axis=2)
    wi_t = w_ih.T.reshape(D, 3 * D)
    wh_t = w_hh.T.reshape(D, 3 * D)
    bi = b_ih.reshape(1, 3 * D)
    bh = b_hh.reshape(1, 3 * D)
    batch3 = batch.reshape(NB, 1, BN)

    m0 = _tc_matmul(x, weight[0])
    agg0 = _sc_gather_scatter_add(m0, idx5)
    h1, m1 = _tc_gru_next(agg0, x, wi_t, wh_t, bi, bh, weight[1])
    agg1 = _sc_gather_scatter_add(m1, idx5)
    return _tc_gru_pool(agg1, h1, wi_t, wh_t, bi, bh, batch3)

# --- scband reference (transcript-rebuilt; emitter-appended) ---
"""Pipeline reference for scband-mpnnblock-42726334660740 (READ-ONLY COPY).

The authoritative reference and input builder live on the scoring server;
editing this copy changes nothing except your own understanding.
"""

import jax, jax.numpy as jnp
import numpy as np

N = 10000
E = 320000
D = 128
STEPS = 2
NUM_GRAPHS = 64


def setup_inputs(seed: int = 0) -> dict:
    key = jax.random.key(seed)
    k1, k2, k3, k4, k5, k6, k7, k8 = jax.random.split(key, 8)
    x = jax.random.normal(k1, (N, D), dtype=jnp.float32)
    edge_index = jax.random.randint(k2, (2, E), 0, N, dtype=jnp.int32)
    batch = jnp.sort(jax.random.randint(k3, (N,), 0, NUM_GRAPHS, dtype=jnp.int32))
    scale = 1.0 / np.sqrt(D)
    weight = jax.random.uniform(k4, (STEPS, D, D), minval=-scale, maxval=scale, dtype=jnp.float32)
    w_ih = jax.random.uniform(k5, (3 * D, D), minval=-scale, maxval=scale, dtype=jnp.float32)
    w_hh = jax.random.uniform(k6, (3 * D, D), minval=-scale, maxval=scale, dtype=jnp.float32)
    b_ih = jax.random.uniform(k7, (3 * D,), minval=-scale, maxval=scale, dtype=jnp.float32)
    b_hh = jax.random.uniform(k8, (3 * D,), minval=-scale, maxval=scale, dtype=jnp.float32)
    return {"x": x, "edge_index": edge_index, "batch": batch, "weight": weight,
            "w_ih": w_ih, "w_hh": w_hh, "b_ih": b_ih, "b_hh": b_hh}


def reference(x, edge_index, batch, weight, w_ih, w_hh, b_ih, b_hh):
    src = edge_index[0]
    dst = edge_index[1]
    h = x
    for i in range(STEPS):
        # GatedGraphConv step: linear transform, message = x_j, aggr='add' at dst
        m = h @ weight[i]
        msg = jnp.take(m, src, axis=0)
        agg = jax.ops.segment_sum(msg, dst, num_segments=N)
        # GRUCell(agg, h), PyTorch gate order r, z, n
        gi = agg @ w_ih.T + b_ih
        gh = h @ w_hh.T + b_hh
        i_r, i_z, i_n = jnp.split(gi, 3, axis=-1)
        h_r, h_z, h_n = jnp.split(gh, 3, axis=-1)
        r = jax.nn.sigmoid(i_r + h_r)
        z = jax.nn.sigmoid(i_z + h_z)
        n = jnp.tanh(i_n + r * h_n)
        h = (1.0 - z) * n + z * h
    h = jax.nn.relu(h)
    # global_mean_pool over batch ids
    sums = jax.ops.segment_sum(h, batch, num_segments=NUM_GRAPHS)
    counts = jax.ops.segment_sum(jnp.ones((N,), dtype=jnp.float32), batch, num_segments=NUM_GRAPHS)
    return sums / jnp.clip(counts, 1.0)[:, None]

if __name__ == "__main__":
    import jax
    _d = setup_inputs()
    print(jax.jit(kernel)(*tuple(_d.values())))

</pallas_src>

<mosaic_0001>
#map = affine_map<(d0, d1) -> (0, 0)>
#map1 = affine_map<(d0, d1) -> (0, 0, 0, 0, 0)>
#map2 = affine_map<(d0, d1) -> (0, 0, 0)>
module attributes {stable_mosaic.version = 14 : i64} {
  func.func @k(%arg0: i32, %arg1: i32, %arg2: memref<10000x128xf32, #tpu.memory_space<hbm>>, %arg3: memref<32x2x2x40x128xi32, #tpu.memory_space<hbm>>, %arg4: memref<2x10240x128xf32, #tpu.memory_space<hbm>>, %arg5: memref<2x40x128xi32, #tpu.memory_space<vmem>>, %arg6: memref<256x128xf32, #tpu.memory_space<vmem>>, %arg7: memref<32x128xf32, #tpu.memory_space<vmem>>, %arg8: memref<10240x128xf32, #tpu.memory_space<vmem_shared>>, %arg9: memref<2x!tpu.dma_semaphore, #tpu.memory_space<semaphore_mem>>) attributes {dimension_semantics = [#tpu.dimension_semantics<core_parallel>, #tpu.dimension_semantics<subcore_parallel>], iteration_bounds = array<i64: 2, 16>, scalar_prefetch = 0 : i64, scratch_operands = 5 : i64, tpu.core_type = #tpu.core_type<sc_vector_subcore>, window_params = [{transform_indices = #map}, {transform_indices = #map1}, {transform_indices = #map2}]} {
    %mul3A = arith.constant 16 : i32
    %mul3A_0 = arith.muli %arg0, %mul3A : i32
    %add3A = arith.addi %mul3A_0, %arg1 : i32
    %run_scoped3A = arith.constant 0 : i32
    "tpu.region"() ({
      %run_scoped3A_36 = tpu.sem_alloc : memref<!tpu.dma_semaphore, #tpu.memory_space<semaphore_mem>>
      %dma_start3A = arith.constant 0 : i32
      %dma_start3A_37 = arith.constant 0 : i32
      %dma_start3A_38 = arith.constant 0 : i32
      %dma_start3A_39 = tpu.memref_slice %arg3[%add3A, %run_scoped3A, %dma_start3A, %dma_start3A_37, %dma_start3A_38] : memref<32x2x2x40x128xi32, #tpu.memory_space<hbm>> -> memref<1x1x2x40x128xi32, #tpu.memory_space<hbm>>
      %dma_start3A_40 = tpu.memref_squeeze %dma_start3A_39 : memref<1x1x2x40x128xi32, #tpu.memory_space<hbm>> -> memref<2x40x128xi32, #tpu.memory_space<hbm>>
      %dma_start3A_41 = arith.constant 0 : i32
      %dma_start3A_42 = arith.constant 0 : i32
      %dma_start3A_43 = arith.constant 0 : i32
      %dma_start3A_44 = tpu.memref_slice %arg3[%add3A, %run_scoped3A, %dma_start3A_41, %dma_start3A_42, %dma_start3A_43] : memref<32x2x2x40x128xi32, #tpu.memory_space<hbm>> -> memref<1x1x2x40x128xi32, #tpu.memory_space<hbm>>
      %dma_start3A_45 = tpu.memref_squeeze %dma_start3A_44 : memref<1x1x2x40x128xi32, #tpu.memory_space<hbm>> -> memref<2x40x128xi32, #tpu.memory_space<hbm>>
      tpu.enqueue_dma source(%dma_start3A_45 : memref<2x40x128xi32, #tpu.memory_space<hbm>>) target(%arg5 : memref<2x40x128xi32, #tpu.memory_space<vmem>>) target_semaphore(%run_scoped3A_36 : memref<!tpu.dma_semaphore, #tpu.memory_space<semaphore_mem>>)
      %dma_wait3A = arith.constant 0 : i32
      %dma_wait3A_46 = arith.constant 0 : i32
      %dma_wait3A_47 = arith.constant 0 : i32
      %dma_wait3A_48 = tpu.memref_slice %arg3[%add3A, %run_scoped3A, %dma_wait3A, %dma_wait3A_46, %dma_wait3A_47] : memref<32x2x2x40x128xi32, #tpu.memory_space<hbm>> -> memref<1x1x2x40x128xi32, #tpu.memory_space<hbm>>
      %dma_wait3A_49 = tpu.memref_squeeze %dma_wait3A_48 : memref<1x1x2x40x128xi32, #tpu.memory_space<hbm>> -> memref<2x40x128xi32, #tpu.memory_space<hbm>>
      %dma_wait3A_50 = arith.constant 0 : i32
      %dma_wait3A_51 = arith.constant 0 : i32
      %dma_wait3A_52 = arith.constant 0 : i32
      %dma_wait3A_53 = tpu.memref_slice %arg3[%add3A, %run_scoped3A, %dma_wait3A_50, %dma_wait3A_51, %dma_wait3A_52] : memref<32x2x2x40x128xi32, #tpu.memory_space<hbm>> -> memref<1x1x2x40x128xi32, #tpu.memory_space<hbm>>
      %dma_wait3A_54 = tpu.memref_squeeze %dma_wait3A_53 : memref<1x1x2x40x128xi32, #tpu.memory_space<hbm>> -> memref<2x40x128xi32, #tpu.memory_space<hbm>>
      tpu.wait_dma2 semaphore(%run_scoped3A_36 : memref<!tpu.dma_semaphore, #tpu.memory_space<semaphore_mem>>) src(%dma_wait3A_54 : memref<2x40x128xi32, #tpu.memory_space<hbm>>) dst(%arg5 : memref<2x40x128xi32, #tpu.memory_space<vmem>>)
      tpu.yield
    }) : () -> ()
    %scan3A = arith.constant 0 : i32
    %scan3A_1 = arith.constant 2 : i32
    %scan3A_2 = arith.addi %scan3A, %scan3A_1 : i32
    %scan3A_3 = arith.constant 1 : i32
    scf.for %scan3A_36 = %scan3A to %scan3A_2 step %scan3A_3  : i32 {
      %mul3A_37 = arith.constant 1 : i32
      %mul3A_38 = arith.muli %scan3A_36, %mul3A_37 : i32
      %add3A_39 = arith.constant 0 : i32
      %add3A_40 = arith.addi %add3A_39, %mul3A_38 : i32
      %and3A = arith.constant 1 : i32
      %and3A_41 = arith.andi %add3A_40, %and3A : i32
      %mul3A_42 = arith.constant 128 : i32
      %mul3A_43 = arith.muli %and3A_41, %mul3A_42 : i32
      %and3A_44 = arith.constant 1 : i32
      %and3A_45 = arith.andi %add3A_40, %and3A_44 : i32
      %dma_start3A = arith.constant 0 : i32
      %dma_start3A_46 = arith.constant 0 : i32
      %dma_start3A_47 = tpu.memref_slice %arg6[%mul3A_43, %dma_start3A_46] : memref<256x128xf32, #tpu.memory_space<vmem>> -> memref<128x128xf32, #tpu.memory_space<vmem>>
      %dma_start3A_48 = arith.constant 0 : i32
      %dma_start3A_49 = tpu.memref_slice %arg5[%dma_start3A, %add3A_40, %dma_start3A_48] : memref<2x40x128xi32, #tpu.memory_space<vmem>> -> memref<1x1x128xi32, #tpu.memory_space<vmem>>
      %dma_start3A_50 = tpu.memref_squeeze %dma_start3A_49 : memref<1x1x128xi32, #tpu.memory_space<vmem>> -> memref<128xi32, #tpu.memory_space<vmem>>
      %dma_start3A_51 = arith.constant 0 : i32
      %dma_start3A_52 = arith.constant 0 : i32
      %dma_start3A_53 = tpu.memref_slice %arg2[%dma_start3A_51, %dma_start3A_52] : memref<10000x128xf32, #tpu.memory_space<hbm>> -> memref<10000x128xf32, #tpu.memory_space<hbm>>
      %dma_start3A_54 = tpu.memref_slice %arg9[%and3A_45] : memref<2x!tpu.dma_semaphore, #tpu.memory_space<semaphore_mem>> -> memref<1x!tpu.dma_semaphore, #tpu.memory_space<semaphore_mem>>
      %dma_start3A_55 = tpu.memref_squeeze %dma_start3A_54 : memref<1x!tpu.dma_semaphore, #tpu.memory_space<semaphore_mem>> -> memref<!tpu.dma_semaphore, #tpu.memory_space<semaphore_mem>>
      tpu.enqueue_indirect_dma source(%dma_start3A_53 : memref<10000x128xf32, #tpu.memory_space<hbm>>) target(%dma_start3A_47 : memref<128x128xf32, #tpu.memory_space<vmem>>) offsets(%dma_start3A_50 : memref<128xi32, #tpu.memory_space<vmem>>) semaphore(%dma_start3A_55 : memref<!tpu.dma_semaphore, #tpu.memory_space<semaphore_mem>>)
    }
    %scan3A_4 = arith.constant 2 : i32
    %scan3A_5 = arith.constant 0 : i32
    %scan3A_6 = arith.constant 32 : i32
    %scan3A_7 = arith.addi %scan3A_5, %scan3A_6 : i32
    %scan3A_8 = arith.constant 1 : i32
    scf.for %scan3A_36 = %scan3A_5 to %scan3A_7 step %scan3A_8  : i32 {
      %mul3A_37 = arith.constant 1 : i32
      %mul3A_38 = arith.muli %scan3A_36, %mul3A_37 : i32
      %add3A_39 = arith.constant 0 : i32
      %add3A_40 = arith.addi %add3A_39, %mul3A_38 : i32
      %broadcast_in_dim3A = arith.constant 0.000000e+00 : f32
      %broadcast_in_dim3A_41 = vector.broadcast %broadcast_in_dim3A : f32 to vector<16xf32>
      %swap3A = arith.index_cast %add3A_40 : i32 to index
      %swap3A_42 = arith.constant 0 : index
      %swap3A_43 = tpu.vector_load %arg7[%swap3A, %swap3A_42] {strides = array<i32>} : memref<32x128xf32, #tpu.memory_space<vmem>>, vector<1x16xf32>,
      %swap3A_44 = vector.shape_cast %swap3A_43 : vector<1x16xf32> to vector<16xf32>
      %swap3A_45 = vector.shape_cast %broadcast_in_dim3A_41 : vector<16xf32> to vector<1x16xf32>
      tpu.vector_store %arg7[%swap3A, %swap3A_42], %swap3A_45 {strides = array<i32>} : memref<32x128xf32, #tpu.memory_space<vmem>>, vector<1x16xf32>,
      %broadcast_in_dim3A_46 = arith.constant 0.000000e+00 : f32
      %broadcast_in_dim3A_47 = vector.broadcast %broadcast_in_dim3A_46 : f32 to vector<16xf32>
      %swap3A_48 = arith.index_cast %add3A_40 : i32 to index
      %swap3A_49 = arith.constant 16 : index
      %swap3A_50 = tpu.vector_load %arg7[%swap3A_48, %swap3A_49] {strides = array<i32>} : memref<32x128xf32, #tpu.memory_space<vmem>>, vector<1x16xf32>,
      %swap3A_51 = vector.shape_cast %swap3A_50 : vector<1x16xf32> to vector<16xf32>
      %swap3A_52 = vector.shape_cast %broadcast_in_dim3A_47 : vector<16xf32> to vector<1x16xf32>
      tpu.vector_store %arg7[%swap3A_48, %swap3A_49], %swap3A_52 {strides = array<i32>} : memref<32x128xf32, #tpu.memory_space<vmem>>, vector<1x16xf32>,
      %broadcast_in_dim3A_53 = arith.constant 0.000000e+00 : f32
      %broadcast_in_dim3A_54 = vector.broadcast %broadcast_in_dim3A_53 : f32 to vector<16xf32>
      %swap3A_55 = arith.index_cast %add3A_40 : i32 to index
      %swap3A_56 = arith.constant 32 : index
      %swap3A_57 = tpu.vector_load %arg7[%swap3A_55, %swap3A_56] {strides = array<i32>} : memref<32x128xf32, #tpu.memory_space<vmem>>, vector<1x16xf32>,
      %swap3A_58 = vector.shape_cast %swap3A_57 : vector<1x16xf32> to vector<16xf32>
      %swap3A_59 = vector.shape_cast %broadcast_in_dim3A_54 : vector<16xf32> to vector<1x16xf32>
      tpu.vector_store %arg7[%swap3A_55, %swap3A_56], %swap3A_59 {strides = array<i32>} : memref<32x128xf32, #tpu.memory_space<vmem>>, vector<1x16xf32>,
      %broadcast_in_dim3A_60 = arith.constant 0.000000e+00 : f32
      %broadcast_in_dim3A_61 = vector.broadcast %broadcast_in_dim3A_60 : f32 to vector<16xf32>
      %swap3A_62 = arith.index_cast %add3A_40 : i32 to index
      %swap3A_63 = arith.constant 48 : index
      %swap3A_64 = tpu.vector_load %arg7[%swap3A_62, %swap3A_63] {strides = array<i32>} : memref<32x128xf32, #tpu.memory_space<vmem>>, vector<1x16xf32>,
      %swap3A_65 = vector.shape_cast %swap3A_64 : vector<1x16xf32> to vector<16xf32>
      %swap3A_66 = vector.shape_cast %broadcast_in_dim3A_61 : vector<16xf32> to vector<1x16xf32>
      tpu.vector_store %arg7[%swap3A_62, %swap3A_63], %swap3A_66 {strides = array<i32>} : memref<32x128xf32, #tpu.memory_space<vmem>>, vector<1x16xf32>,
      %broadcast_in_dim3A_67 = arith.constant 0.000000e+00 : f32
      %broadcast_in_dim3A_68 = vector.broadcast %broadcast_in_dim3A_67 : f32 to vector<16xf32>
      %swap3A_69 = arith.index_cast %add3A_40 : i32 to index
      %swap3A_70 = arith.constant 64 : index
      %swap3A_71 = tpu.vector_load %arg7[%swap3A_69, %swap3A_70] {strides = array<i32>} : memref<32x128xf32, #tpu.memory_space<vmem>>, vector<1x16xf32>,
      %swap3A_72 = vector.shape_cast %swap3A_71 : vector<1x16xf32> to vector<16xf32>
      %swap3A_73 = vector.shape_cast %broadcast_in_dim3A_68 : vector<16xf32> to vector<1x16xf32>
      tpu.vector_store %arg7[%swap3A_69, %swap3A_70], %swap3A_73 {strides = array<i32>} : memref<32x128xf32, #tpu.memory_space<vmem>>, vector<1x16xf32>,
      %broadcast_in_dim3A_74 = arith.constant 0.000000e+00 : f32
      %broadcast_in_dim3A_75 = vector.broadcast %broadcast_in_dim3A_74 : f32 to vector<16xf32>
      %swap3A_76 = arith.index_cast %add3A_40 : i32 to index
      %swap3A_77 = arith.constant 80 : index
      %swap3A_78 = tpu.vector_load %arg7[%swap3A_76, %swap3A_77] {strides = array<i32>} : memref<32x128xf32, #tpu.memory_space<vmem>>, vector<1x16xf32>,
      %swap3A_79 = vector.shape_cast %swap3A_78 : vector<1x16xf32> to vector<16xf32>
      %swap3A_80 = vector.shape_cast %broadcast_in_dim3A_75 : vector<16xf32> to vector<1x16xf32>
      tpu.vector_store %arg7[%swap3A_76, %swap3A_77], %swap3A_80 {strides = array<i32>} : memref<32x128xf32, #tpu.memory_space<vmem>>, vector<1x16xf32>,
      %broadcast_in_dim3A_81 = arith.constant 0.000000e+00 : f32
      %broadcast_in_dim3A_82 = vector.broadcast %broadcast_in_dim3A_81 : f32 to vector<16xf32>
      %swap3A_83 = arith.index_cast %add3A_40 : i32 to index
      %swap3A_84 = arith.constant 96 : index
      %swap3A_85 = tpu.vector_load %arg7[%swap3A_83, %swap3A_84] {strides = array<i32>} : memref<32x128xf32, #tpu.memory_space<vmem>>, vector<1x16xf32>,
      %swap3A_86 = vector.shape_cast %swap3A_85 : vector<1x16xf32> to vector<16xf32>
      %swap3A_87 = vector.shape_cast %broadcast_in_dim3A_82 : vector<16xf32> to vector<1x16xf32>
      tpu.vector_store %arg7[%swap3A_83, %swap3A_84], %swap3A_87 {strides = array<i32>} : memref<32x128xf32, #tpu.memory_space<vmem>>, vector<1x16xf32>,
      %broadcast_in_dim3A_88 = arith.constant 0.000000e+00 : f32
      %broadcast_in_dim3A_89 = vector.broadcast %broadcast_in_dim3A_88 : f32 to vector<16xf32>
      %swap3A_90 = arith.index_cast %add3A_40 : i32 to index
      %swap3A_91 = arith.constant 112 : index
      %swap3A_92 = tpu.vector_load %arg7[%swap3A_90, %swap3A_91] {strides = array<i32>} : memref<32x128xf32, #tpu.memory_space<vmem>>, vector<1x16xf32>,
      %swap3A_93 = vector.shape_cast %swap3A_92 : vector<1x16xf32> to vector<16xf32>
      %swap3A_94 = vector.shape_cast %broadcast_in_dim3A_89 : vector<16xf32> to vector<1x16xf32>
      tpu.vector_store %arg7[%swap3A_90, %swap3A_91], %swap3A_94 {strides = array<i32>} : memref<32x128xf32, #tpu.memory_space<vmem>>, vector<1x16xf32>,
    }
    %scan3A_9 = arith.constant 32 : i32
    %scan3A_10 = arith.constant 0 : i32
    %scan3A_11 = arith.constant 20 : i32
    %scan3A_12 = arith.addi %scan3A_10, %scan3A_11 : i32
    %scan3A_13 = arith.constant 1 : i32
    scf.for %scan3A_36 = %scan3A_10 to %scan3A_12 step %scan3A_13  : i32 {
      %mul3A_37 = arith.constant 32 : i32
      %mul3A_38 = arith.muli %scan3A_36, %mul3A_37 : i32
      %add3A_39 = arith.constant 0 : i32
      %add3A_40 = arith.addi %add3A_39, %mul3A_38 : i32
      %mul3A_41 = arith.constant 640 : i32
      %mul3A_42 = arith.muli %arg1, %mul3A_41 : i32
      %add3A_43 = arith.addi %mul3A_42, %add3A_40 : i32
      "tpu.region"() ({
        %run_scoped3A_44 = tpu.sem_alloc : memref<!tpu.dma_semaphore, #tpu.memory_space<semaphore_mem>>
        %dma_start3A = arith.constant 0 : i32
        %dma_start3A_45 = tpu.memref_slice %arg8[%add3A_43, %dma_start3A] : memref<10240x128xf32, #tpu.memory_space<vmem_shared>> -> memref<32x128xf32, #tpu.memory_space<vmem_shared>>
        %dma_start3A_46 = arith.constant 0 : i32
        %dma_start3A_47 = tpu.memref_slice %arg8[%add3A_43, %dma_start3A_46] : memref<10240x128xf32, #tpu.memory_space<vmem_shared>> -> memref<32x128xf32, #tpu.memory_space<vmem_shared>>
        tpu.enqueue_dma source(%arg7 : memref<32x128xf32, #tpu.memory_space<vmem>>) target(%dma_start3A_47 : memref<32x128xf32, #tpu.memory_space<vmem_shared>>) target_semaphore(%run_scoped3A_44 : memref<!tpu.dma_semaphore, #tpu.memory_space<semaphore_mem>>)
        %dma_wait3A = arith.constant 0 : i32
        %dma_wait3A_48 = tpu.memref_slice %arg8[%add3A_43, %dma_wait3A] : memref<10240x128xf32, #tpu.memory_space<vmem_shared>> -> memref<32x128xf32, #tpu.memory_space<vmem_shared>>
        %dma_wait3A_49 = arith.constant 0 : i32
        %dma_wait3A_50 = tpu.memref_slice %arg8[%add3A_43, %dma_wait3A_49] : memref<10240x128xf32, #tpu.memory_space<vmem_shared>> -> memref<32x128xf32, #tpu.memory_space<vmem_shared>>
        tpu.wait_dma2 semaphore(%run_scoped3A_44 : memref<!tpu.dma_semaphore, #tpu.memory_space<semaphore_mem>>) src(%arg7 : memref<32x128xf32, #tpu.memory_space<vmem>>) dst(%dma_wait3A_50 : memref<32x128xf32, #tpu.memory_space<vmem_shared>>)
        tpu.yield
      }) : () -> ()
    }
    %scan3A_14 = arith.constant 20 : i32
    %barrier3A = arith.constant 0 : index
    tpu.barrier barrier_id(%barrier3A)
    %scan3A_15 = arith.constant 0 : i32
    %scan3A_16 = arith.constant 40 : i32
    %scan3A_17 = arith.addi %scan3A_15, %scan3A_16 : i32
    %scan3A_18 = arith.constant 1 : i32
    scf.for %scan3A_36 = %scan3A_15 to %scan3A_17 step %scan3A_18  : i32 {
      %mul3A_37 = arith.constant 1 : i32
      %mul3A_38 = arith.muli %scan3A_36, %mul3A_37 : i32
      %add3A_39 = arith.constant 0 : i32
      %add3A_40 = arith.addi %add3A_39, %mul3A_38 : i32
      %and3A = arith.constant 1 : i32
      %and3A_41 = arith.andi %add3A_40, %and3A : i32
      %mul3A_42 = arith.constant 128 : i32
      %mul3A_43 = arith.muli %and3A_41, %mul3A_42 : i32
      %and3A_44 = arith.constant 1 : i32
      %and3A_45 = arith.andi %add3A_40, %and3A_44 : i32
      %dma_wait3A = arith.constant 0 : i32
      %dma_wait3A_46 = arith.constant 0 : i32
      %dma_wait3A_47 = tpu.memref_slice %arg6[%mul3A_43, %dma_wait3A_46] : memref<256x128xf32, #tpu.memory_space<vmem>> -> memref<128x128xf32, #tpu.memory_space<vmem>>
      %dma_wait3A_48 = arith.constant 0 : i32
      %dma_wait3A_49 = tpu.memref_slice %arg5[%dma_wait3A, %add3A_40, %dma_wait3A_48] : memref<2x40x128xi32, #tpu.memory_space<vmem>> -> memref<1x1x128xi32, #tpu.memory_space<vmem>>
      %dma_wait3A_50 = tpu.memref_squeeze %dma_wait3A_49 : memref<1x1x128xi32, #tpu.memory_space<vmem>> -> memref<128xi32, #tpu.memory_space<vmem>>
      %dma_wait3A_51 = arith.constant 0 : i32
      %dma_wait3A_52 = arith.constant 0 : i32
      %dma_wait3A_53 = tpu.memref_slice %arg2[%dma_wait3A_51, %dma_wait3A_52] : memref<10000x128xf32, #tpu.memory_space<hbm>> -> memref<10000x128xf32, #tpu.memory_space<hbm>>
      %dma_wait3A_54 = tpu.memref_slice %arg9[%and3A_45] : memref<2x!tpu.dma_semaphore, #tpu.memory_space<semaphore_mem>> -> memref<1x!tpu.dma_semaphore, #tpu.memory_space<semaphore_mem>>
      %dma_wait3A_55 = tpu.memref_squeeze %dma_wait3A_54 : memref<1x!tpu.dma_semaphore, #tpu.memory_space<semaphore_mem>> -> memref<!tpu.dma_semaphore, #tpu.memory_space<semaphore_mem>>
      tpu.wait_indirect_dma semaphore(%dma_wait3A_55 : memref<!tpu.dma_semaphore, #tpu.memory_space<semaphore_mem>>) src(%dma_wait3A_53 : memref<10000x128xf32, #tpu.memory_space<hbm>>) dst(%dma_wait3A_47 : memref<128x128xf32, #tpu.memory_space<vmem>>)
      %run_scoped3A_56 = arith.constant 1 : i32
      "tpu.region"() ({
        %run_scoped3A_61 = tpu.sem_alloc : memref<!tpu.dma_semaphore, #tpu.memory_space<semaphore_mem>>
        %dma_start3A = arith.constant 0 : i32
        %dma_start3A_62 = tpu.memref_slice %arg6[%mul3A_43, %dma_start3A] : memref<256x128xf32, #tpu.memory_space<vmem>> -> memref<128x128xf32, #tpu.memory_space<vmem>>
        %dma_start3A_63 = arith.constant 0 : i32
        %dma_start3A_64 = tpu.memref_slice %arg5[%run_scoped3A_56, %add3A_40, %dma_start3A_63] : memref<2x40x128xi32, #tpu.memory_space<vmem>> -> memref<1x1x128xi32, #tpu.memory_space<vmem>>
        %dma_start3A_65 = tpu.memref_squeeze %dma_start3A_64 : memref<1x1x128xi32, #tpu.memory_space<vmem>> -> memref<128xi32, #tpu.memory_space<vmem>>
        %dma_start3A_66 = arith.constant 0 : i32
        %dma_start3A_67 = arith.constant 0 : i32
        %dma_start3A_68 = tpu.memref_slice %arg8[%dma_start3A_66, %dma_start3A_67] : memref<10240x128xf32, #tpu.memory_space<vmem_shared>> -> memref<10240x128xf32, #tpu.memory_space<vmem_shared>>
        tpu.enqueue_indirect_dma source(%dma_start3A_62 : memref<128x128xf32, #tpu.memory_space<vmem>>) target(%dma_start3A_68 : memref<10240x128xf32, #tpu.memory_space<vmem_shared>>) offsets(%dma_start3A_65 : memref<128xi32, #tpu.memory_space<vmem>>) semaphore(%run_scoped3A_61 : memref<!tpu.dma_semaphore, #tpu.memory_space<semaphore_mem>>) {add = true}
        %dma_wait3A_69 = arith.constant 0 : i32
        %dma_wait3A_70 = tpu.memref_slice %arg6[%mul3A_43, %dma_wait3A_69] : memref<256x128xf32, #tpu.memory_space<vmem>> -> memref<128x128xf32, #tpu.memory_space<vmem>>
        %dma_wait3A_71 = arith.constant 0 : i32
        %dma_wait3A_72 = tpu.memref_slice %arg5[%run_scoped3A_56, %add3A_40, %dma_wait3A_71] : memref<2x40x128xi32, #tpu.memory_space<vmem>> -> memref<1x1x128xi32, #tpu.memory_space<vmem>>
        %dma_wait3A_73 = tpu.memref_squeeze %dma_wait3A_72 : memref<1x1x128xi32, #tpu.memory_space<vmem>> -> memref<128xi32, #tpu.memory_space<vmem>>
        %dma_wait3A_74 = arith.constant 0 : i32
        %dma_wait3A_75 = arith.constant 0 : i32
        %dma_wait3A_76 = tpu.memref_slice %arg8[%dma_wait3A_74, %dma_wait3A_75] : memref<10240x128xf32, #tpu.memory_space<vmem_shared>> -> memref<10240x128xf32, #tpu.memory_space<vmem_shared>>
        tpu.wait_indirect_dma semaphore(%run_scoped3A_61 : memref<!tpu.dma_semaphore, #tpu.memory_space<semaphore_mem>>) src(%dma_wait3A_70 : memref<128x128xf32, #tpu.memory_space<vmem>>) dst(%dma_wait3A_76 : memref<10240x128xf32, #tpu.memory_space<vmem_shared>>)
        tpu.yield
      }) : () -> ()
      %add3A_57 = arith.constant 2 : i32
      %add3A_58 = arith.addi %add3A_40, %add3A_57 : i32
      %lt3A = arith.constant 40 : i32
      %lt3A_59 = arith.cmpi slt, %add3A_58, %lt3A : i32
      %convert_element_type3A = arith.extui %lt3A_59 : i1 to i32
      %cond3A = arith.constant 0 : i32
      %cond3A_60 = arith.cmpi ne, %convert_element_type3A, %cond3A : i32
      scf.if %cond3A_60 {
        %add3A_61 = arith.constant 2 : i32
        %add3A_62 = arith.addi %add3A_40, %add3A_61 : i32
        %and3A_63 = arith.constant 1 : i32
        %and3A_64 = arith.andi %add3A_40, %and3A_63 : i32
        %dma_start3A = arith.constant 0 : i32
        %dma_start3A_65 = arith.constant 0 : i32
        %dma_start3A_66 = tpu.memref_slice %arg6[%mul3A_43, %dma_start3A_65] : memref<256x128xf32, #tpu.memory_space<vmem>> -> memref<128x128xf32, #tpu.memory_space<vmem>>
        %dma_start3A_67 = arith.constant 0 : i32
        %dma_start3A_68 = tpu.memref_slice %arg5[%dma_start3A, %add3A_62, %dma_start3A_67] : memref<2x40x128xi32, #tpu.memory_space<vmem>> -> memref<1x1x128xi32, #tpu.memory_space<vmem>>
        %dma_start3A_69 = tpu.memref_squeeze %dma_start3A_68 : memref<1x1x128xi32, #tpu.memory_space<vmem>> -> memref<128xi32, #tpu.memory_space<vmem>>
        %dma_start3A_70 = arith.constant 0 : i32
        %dma_start3A_71 = arith.constant 0 : i32
        %dma_start3A_72 = tpu.memref_slice %arg2[%dma_start3A_70, %dma_start3A_71] : memref<10000x128xf32, #tpu.memory_space<hbm>> -> memref<10000x128xf32, #tpu.memory_space<hbm>>
        %dma_start3A_73 = tpu.memref_slice %arg9[%and3A_64] : memref<2x!tpu.dma_semaphore, #tpu.memory_space<semaphore_mem>> -> memref<1x!tpu.dma_semaphore, #tpu.memory_space<semaphore_mem>>
        %dma_start3A_74 = tpu.memref_squeeze %dma_start3A_73 : memref<1x!tpu.dma_semaphore, #tpu.memory_space<semaphore_mem>> -> memref<!tpu.dma_semaphore, #tpu.memory_space<semaphore_mem>>
        tpu.enqueue_indirect_dma source(%dma_start3A_72 : memref<10000x128xf32, #tpu.memory_space<hbm>>) target(%dma_start3A_66 : memref<128x128xf32, #tpu.memory_space<vmem>>) offsets(%dma_start3A_69 : memref<128xi32, #tpu.memory_space<vmem>>) semaphore(%dma_start3A_74 : memref<!tpu.dma_semaphore, #tpu.memory_space<semaphore_mem>>)
      } else {
      }
    }
    %scan3A_19 = arith.constant 40 : i32
    %run_scoped3A_20 = arith.constant 1 : i32
    "tpu.region"() ({
      %run_scoped3A_36 = tpu.sem_alloc : memref<!tpu.dma_semaphore, #tpu.memory_space<semaphore_mem>>
      %dma_start3A = arith.constant 0 : i32
      %dma_start3A_37 = arith.constant 0 : i32
      %dma_start3A_38 = arith.constant 0 : i32
      %dma_start3A_39 = tpu.memref_slice %arg3[%add3A, %run_scoped3A_20, %dma_start3A, %dma_start3A_37, %dma_start3A_38] : memref<32x2x2x40x128xi32, #tpu.memory_space<hbm>> -> memref<1x1x2x40x128xi32, #tpu.memory_space<hbm>>
      %dma_start3A_40 = tpu.memref_squeeze %dma_start3A_39 : memref<1x1x2x40x128xi32, #tpu.memory_space<hbm>> -> memref<2x40x128xi32, #tpu.memory_space<hbm>>
      %dma_start3A_41 = arith.constant 0 : i32
      %dma_start3A_42 = arith.constant 0 : i32
      %dma_start3A_43 = arith.constant 0 : i32
      %dma_start3A_44 = tpu.memref_slice %arg3[%add3A, %run_scoped3A_20, %dma_start3A_41, %dma_start3A_42, %dma_start3A_43] : memref<32x2x2x40x128xi32, #tpu.memory_space<hbm>> -> memref<1x1x2x40x128xi32, #tpu.memory_space<hbm>>
      %dma_start3A_45 = tpu.memref_squeeze %dma_start3A_44 : memref<1x1x2x40x128xi32, #tpu.memory_space<hbm>> -> memref<2x40x128xi32, #tpu.memory_space<hbm>>
      tpu.enqueue_dma source(%dma_start3A_45 : memref<2x40x128xi32, #tpu.memory_space<hbm>>) target(%arg5 : memref<2x40x128xi32, #tpu.memory_space<vmem>>) target_semaphore(%run_scoped3A_36 : memref<!tpu.dma_semaphore, #tpu.memory_space<semaphore_mem>>)
      %dma_wait3A = arith.constant 0 : i32
      %dma_wait3A_46 = arith.constant 0 : i32
      %dma_wait3A_47 = arith.constant 0 : i32
      %dma_wait3A_48 = tpu.memref_slice %arg3[%add3A, %run_scoped3A_20, %dma_wait3A, %dma_wait3A_46, %dma_wait3A_47] : memref<32x2x2x40x128xi32, #tpu.memory_space<hbm>> -> memref<1x1x2x40x128xi32, #tpu.memory_space<hbm>>
      %dma_wait3A_49 = tpu.memref_squeeze %dma_wait3A_48 : memref<1x1x2x40x128xi32, #tpu.memory_space<hbm>> -> memref<2x40x128xi32, #tpu.memory_space<hbm>>
      %dma_wait3A_50 = arith.constant 0 : i32
      %dma_wait3A_51 = arith.constant 0 : i32
      %dma_wait3A_52 = arith.constant 0 : i32
      %dma_wait3A_53 = tpu.memref_slice %arg3[%add3A, %run_scoped3A_20, %dma_wait3A_50, %dma_wait3A_51, %dma_wait3A_52] : memref<32x2x2x40x128xi32, #tpu.memory_space<hbm>> -> memref<1x1x2x40x128xi32, #tpu.memory_space<hbm>>
      %dma_wait3A_54 = tpu.memref_squeeze %dma_wait3A_53 : memref<1x1x2x40x128xi32, #tpu.memory_space<hbm>> -> memref<2x40x128xi32, #tpu.memory_space<hbm>>
      tpu.wait_dma2 semaphore(%run_scoped3A_36 : memref<!tpu.dma_semaphore, #tpu.memory_space<semaphore_mem>>) src(%dma_wait3A_54 : memref<2x40x128xi32, #tpu.memory_space<hbm>>) dst(%arg5 : memref<2x40x128xi32, #tpu.memory_space<vmem>>)
      tpu.yield
    }) : () -> ()
    %scan3A_21 = arith.constant 0 : i32
    %scan3A_22 = arith.constant 2 : i32
    %scan3A_23 = arith.addi %scan3A_21, %scan3A_22 : i32
    %scan3A_24 = arith.constant 1 : i32
    scf.for %scan3A_36 = %scan3A_21 to %scan3A_23 step %scan3A_24  : i32 {
      %mul3A_37 = arith.constant 1 : i32
      %mul3A_38 = arith.muli %scan3A_36, %mul3A_37 : i32
      %add3A_39 = arith.constant 0 : i32
      %add3A_40 = arith.addi %add3A_39, %mul3A_38 : i32
      %and3A = arith.constant 1 : i32
      %and3A_41 = arith.andi %add3A_40, %and3A : i32
      %mul3A_42 = arith.constant 128 : i32
      %mul3A_43 = arith.muli %and3A_41, %mul3A_42 : i32
      %and3A_44 = arith.constant 1 : i32
      %and3A_45 = arith.andi %add3A_40, %and3A_44 : i32
      %dma_start3A = arith.constant 0 : i32
      %dma_start3A_46 = arith.constant 0 : i32
      %dma_start3A_47 = tpu.memref_slice %arg6[%mul3A_43, %dma_start3A_46] : memref<256x128xf32, #tpu.memory_space<vmem>> -> memref<128x128xf32, #tpu.memory_space<vmem>>
      %dma_start3A_48 = arith.constant 0 : i32
      %dma_start3A_49 = tpu.memref_slice %arg5[%dma_start3A, %add3A_40, %dma_start3A_48] : memref<2x40x128xi32, #tpu.memory_space<vmem>> -> memref<1x1x128xi32, #tpu.memory_space<vmem>>
      %dma_start3A_50 = tpu.memref_squeeze %dma_start3A_49 : memref<1x1x128xi32, #tpu.memory_space<vmem>> -> memref<128xi32, #tpu.memory_space<vmem>>
      %dma_start3A_51 = arith.constant 0 : i32
      %dma_start3A_52 = arith.constant 0 : i32
      %dma_start3A_53 = tpu.memref_slice %arg2[%dma_start3A_51, %dma_start3A_52] : memref<10000x128xf32, #tpu.memory_space<hbm>> -> memref<10000x128xf32, #tpu.memory_space<hbm>>
      %dma_start3A_54 = tpu.memref_slice %arg9[%and3A_45] : memref<2x!tpu.dma_semaphore, #tpu.memory_space<semaphore_mem>> -> memref<1x!tpu.dma_semaphore, #tpu.memory_space<semaphore_mem>>
      %dma_start3A_55 = tpu.memref_squeeze %dma_start3A_54 : memref<1x!tpu.dma_semaphore, #tpu.memory_space<semaphore_mem>> -> memref<!tpu.dma_semaphore, #tpu.memory_space<semaphore_mem>>
      tpu.enqueue_indirect_dma source(%dma_start3A_53 : memref<10000x128xf32, #tpu.memory_space<hbm>>) target(%dma_start3A_47 : memref<128x128xf32, #tpu.memory_space<vmem>>) offsets(%dma_start3A_50 : memref<128xi32, #tpu.memory_space<vmem>>) semaphore(%dma_start3A_55 : memref<!tpu.dma_semaphore, #tpu.memory_space<semaphore_mem>>)
    }
    %scan3A_25 = arith.constant 2 : i32
    %scan3A_26 = arith.constant 0 : i32
    %scan3A_27 = arith.constant 40 : i32
    %scan3A_28 = arith.addi %scan3A_26, %scan3A_27 : i32
    %scan3A_29 = arith.constant 1 : i32
    scf.for %scan3A_36 = %scan3A_26 to %scan3A_28 step %scan3A_29  : i32 {
      %mul3A_37 = arith.constant 1 : i32
      %mul3A_38 = arith.muli %scan3A_36, %mul3A_37 : i32
      %add3A_39 = arith.constant 0 : i32
      %add3A_40 = arith.addi %add3A_39, %mul3A_38 : i32
      %and3A = arith.constant 1 : i32
      %and3A_41 = arith.andi %add3A_40, %and3A : i32
      %mul3A_42 = arith.constant 128 : i32
      %mul3A_43 = arith.muli %and3A_41, %mul3A_42 : i32
      %and3A_44 = arith.constant 1 : i32
      %and3A_45 = arith.andi %add3A_40, %and3A_44 : i32
      %dma_wait3A = arith.constant 0 : i32
      %dma_wait3A_46 = arith.constant 0 : i32
      %dma_wait3A_47 = tpu.memref_slice %arg6[%mul3A_43, %dma_wait3A_46] : memref<256x128xf32, #tpu.memory_space<vmem>> -> memref<128x128xf32, #tpu.memory_space<vmem>>
      %dma_wait3A_48 = arith.constant 0 : i32
      %dma_wait3A_49 = tpu.memref_slice %arg5[%dma_wait3A, %add3A_40, %dma_wait3A_48] : memref<2x40x128xi32, #tpu.memory_space<vmem>> -> memref<1x1x128xi32, #tpu.memory_space<vmem>>
      %dma_wait3A_50 = tpu.memref_squeeze %dma_wait3A_49 : memref<1x1x128xi32, #tpu.memory_space<vmem>> -> memref<128xi32, #tpu.memory_space<vmem>>
      %dma_wait3A_51 = arith.constant 0 : i32
      %dma_wait3A_52 = arith.constant 0 : i32
      %dma_wait3A_53 = tpu.memref_slice %arg2[%dma_wait3A_51, %dma_wait3A_52] : memref<10000x128xf32, #tpu.memory_space<hbm>> -> memref<10000x128xf32, #tpu.memory_space<hbm>>
      %dma_wait3A_54 = tpu.memref_slice %arg9[%and3A_45] : memref<2x!tpu.dma_semaphore, #tpu.memory_space<semaphore_mem>> -> memref<1x!tpu.dma_semaphore, #tpu.memory_space<semaphore_mem>>
      %dma_wait3A_55 = tpu.memref_squeeze %dma_wait3A_54 : memref<1x!tpu.dma_semaphore, #tpu.memory_space<semaphore_mem>> -> memref<!tpu.dma_semaphore, #tpu.memory_space<semaphore_mem>>
      tpu.wait_indirect_dma semaphore(%dma_wait3A_55 : memref<!tpu.dma_semaphore, #tpu.memory_space<semaphore_mem>>) src(%dma_wait3A_53 : memref<10000x128xf32, #tpu.memory_space<hbm>>) dst(%dma_wait3A_47 : memref<128x128xf32, #tpu.memory_space<vmem>>)
      %run_scoped3A_56 = arith.constant 1 : i32
      "tpu.region"() ({
        %run_scoped3A_61 = tpu.sem_alloc : memref<!tpu.dma_semaphore, #tpu.memory_space<semaphore_mem>>
        %dma_start3A = arith.constant 0 : i32
        %dma_start3A_62 = tpu.memref_slice %arg6[%mul3A_43, %dma_start3A] : memref<256x128xf32, #tpu.memory_space<vmem>> -> memref<128x128xf32, #tpu.memory_space<vmem>>
        %dma_start3A_63 = arith.constant 0 : i32
        %dma_start3A_64 = tpu.memref_slice %arg5[%run_scoped3A_56, %add3A_40, %dma_start3A_63] : memref<2x40x128xi32, #tpu.memory_space<vmem>> -> memref<1x1x128xi32, #tpu.memory_space<vmem>>
        %dma_start3A_65 = tpu.memref_squeeze %dma_start3A_64 : memref<1x1x128xi32, #tpu.memory_space<vmem>> -> memref<128xi32, #tpu.memory_space<vmem>>
        %dma_start3A_66 = arith.constant 0 : i32
        %dma_start3A_67 = arith.constant 0 : i32
        %dma_start3A_68 = tpu.memref_slice %arg8[%dma_start3A_66, %dma_start3A_67] : memref<10240x128xf32, #tpu.memory_space<vmem_shared>> -> memref<10240x128xf32, #tpu.memory_space<vmem_shared>>
        tpu.enqueue_indirect_dma source(%dma_start3A_62 : memref<128x128xf32, #tpu.memory_space<vmem>>) target(%dma_start3A_68 : memref<10240x128xf32, #tpu.memory_space<vmem_shared>>) offsets(%dma_start3A_65 : memref<128xi32, #tpu.memory_space<vmem>>) semaphore(%run_scoped3A_61 : memref<!tpu.dma_semaphore, #tpu.memory_space<semaphore_mem>>) {add = true}
        %dma_wait3A_69 = arith.constant 0 : i32
        %dma_wait3A_70 = tpu.memref_slice %arg6[%mul3A_43, %dma_wait3A_69] : memref<256x128xf32, #tpu.memory_space<vmem>> -> memref<128x128xf32, #tpu.memory_space<vmem>>
        %dma_wait3A_71 = arith.constant 0 : i32
        %dma_wait3A_72 = tpu.memref_slice %arg5[%run_scoped3A_56, %add3A_40, %dma_wait3A_71] : memref<2x40x128xi32, #tpu.memory_space<vmem>> -> memref<1x1x128xi32, #tpu.memory_space<vmem>>
        %dma_wait3A_73 = tpu.memref_squeeze %dma_wait3A_72 : memref<1x1x128xi32, #tpu.memory_space<vmem>> -> memref<128xi32, #tpu.memory_space<vmem>>
        %dma_wait3A_74 = arith.constant 0 : i32
        %dma_wait3A_75 = arith.constant 0 : i32
        %dma_wait3A_76 = tpu.memref_slice %arg8[%dma_wait3A_74, %dma_wait3A_75] : memref<10240x128xf32, #tpu.memory_space<vmem_shared>> -> memref<10240x128xf32, #tpu.memory_space<vmem_shared>>
        tpu.wait_indirect_dma semaphore(%run_scoped3A_61 : memref<!tpu.dma_semaphore, #tpu.memory_space<semaphore_mem>>) src(%dma_wait3A_70 : memref<128x128xf32, #tpu.memory_space<vmem>>) dst(%dma_wait3A_76 : memref<10240x128xf32, #tpu.memory_space<vmem_shared>>)
        tpu.yield
      }) : () -> ()
      %add3A_57 = arith.constant 2 : i32
      %add3A_58 = arith.addi %add3A_40, %add3A_57 : i32
      %lt3A = arith.constant 40 : i32
      %lt3A_59 = arith.cmpi slt, %add3A_58, %lt3A : i32
      %convert_element_type3A = arith.extui %lt3A_59 : i1 to i32
      %cond3A = arith.constant 0 : i32
      %cond3A_60 = arith.cmpi ne, %convert_element_type3A, %cond3A : i32
      scf.if %cond3A_60 {
        %add3A_61 = arith.constant 2 : i32
        %add3A_62 = arith.addi %add3A_40, %add3A_61 : i32
        %and3A_63 = arith.constant 1 : i32
        %and3A_64 = arith.andi %add3A_40, %and3A_63 : i32
        %dma_start3A = arith.constant 0 : i32
        %dma_start3A_65 = arith.constant 0 : i32
        %dma_start3A_66 = tpu.memref_slice %arg6[%mul3A_43, %dma_start3A_65] : memref<256x128xf32, #tpu.memory_space<vmem>> -> memref<128x128xf32, #tpu.memory_space<vmem>>
        %dma_start3A_67 = arith.constant 0 : i32
        %dma_start3A_68 = tpu.memref_slice %arg5[%dma_start3A, %add3A_62, %dma_start3A_67] : memref<2x40x128xi32, #tpu.memory_space<vmem>> -> memref<1x1x128xi32, #tpu.memory_space<vmem>>
        %dma_start3A_69 = tpu.memref_squeeze %dma_start3A_68 : memref<1x1x128xi32, #tpu.memory_space<vmem>> -> memref<128xi32, #tpu.memory_space<vmem>>
        %dma_start3A_70 = arith.constant 0 : i32
        %dma_start3A_71 = arith.constant 0 : i32
        %dma_start3A_72 = tpu.memref_slice %arg2[%dma_start3A_70, %dma_start3A_71] : memref<10000x128xf32, #tpu.memory_space<hbm>> -> memref<10000x128xf32, #tpu.memory_space<hbm>>
        %dma_start3A_73 = tpu.memref_slice %arg9[%and3A_64] : memref<2x!tpu.dma_semaphore, #tpu.memory_space<semaphore_mem>> -> memref<1x!tpu.dma_semaphore, #tpu.memory_space<semaphore_mem>>
        %dma_start3A_74 = tpu.memref_squeeze %dma_start3A_73 : memref<1x!tpu.dma_semaphore, #tpu.memory_space<semaphore_mem>> -> memref<!tpu.dma_semaphore, #tpu.memory_space<semaphore_mem>>
        tpu.enqueue_indirect_dma source(%dma_start3A_72 : memref<10000x128xf32, #tpu.memory_space<hbm>>) target(%dma_start3A_66 : memref<128x128xf32, #tpu.memory_space<vmem>>) offsets(%dma_start3A_69 : memref<128xi32, #tpu.memory_space<vmem>>) semaphore(%dma_start3A_74 : memref<!tpu.dma_semaphore, #tpu.memory_space<semaphore_mem>>)
      } else {
      }
    }
    %scan3A_30 = arith.constant 40 : i32
    %barrier3A_31 = arith.constant 0 : index
    tpu.barrier barrier_id(%barrier3A_31)
    %mul3A_32 = arith.constant 640 : i32
    %mul3A_33 = arith.muli %arg1, %mul3A_32 : i32
    %mul3A_34 = arith.constant 640 : i32
    %mul3A_35 = arith.muli %arg1, %mul3A_34 : i32
    "tpu.region"() ({
      %run_scoped3A_36 = tpu.sem_alloc : memref<!tpu.dma_semaphore, #tpu.memory_space<semaphore_mem>>
      %dma_start3A = arith.constant 0 : i32
      %dma_start3A_37 = tpu.memref_slice %arg4[%arg0, %mul3A_35, %dma_start3A] : memref<2x10240x128xf32, #tpu.memory_space<hbm>> -> memref<1x640x128xf32, #tpu.memory_space<hbm>>
      %dma_start3A_38 = tpu.memref_squeeze %dma_start3A_37 : memref<1x640x128xf32, #tpu.memory_space<hbm>> -> memref<640x128xf32, #tpu.memory_space<hbm>>
      %dma_start3A_39 = arith.constant 0 : i32
      %dma_start3A_40 = tpu.memref_slice %arg8[%mul3A_33, %dma_start3A_39] : memref<10240x128xf32, #tpu.memory_space<vmem_shared>> -> memref<640x128xf32, #tpu.memory_space<vmem_shared>>
      tpu.enqueue_dma source(%dma_start3A_40 : memref<640x128xf32, #tpu.memory_space<vmem_shared>>) target(%dma_start3A_38 : memref<640x128xf32, #tpu.memory_space<hbm>>) target_semaphore(%run_scoped3A_36 : memref<!tpu.dma_semaphore, #tpu.memory_space<semaphore_mem>>)
      %dma_wait3A = arith.constant 0 : i32
      %dma_wait3A_41 = tpu.memref_slice %arg4[%arg0, %mul3A_35, %dma_wait3A] : memref<2x10240x128xf32, #tpu.memory_space<hbm>> -> memref<1x640x128xf32, #tpu.memory_space<hbm>>
      %dma_wait3A_42 = tpu.memref_squeeze %dma_wait3A_41 : memref<1x640x128xf32, #tpu.memory_space<hbm>> -> memref<640x128xf32, #tpu.memory_space<hbm>>
      %dma_wait3A_43 = arith.constant 0 : i32
      %dma_wait3A_44 = tpu.memref_slice %arg8[%mul3A_33, %dma_wait3A_43] : memref<10240x128xf32, #tpu.memory_space<vmem_shared>> -> memref<640x128xf32, #tpu.memory_space<vmem_shared>>
      tpu.wait_dma2 semaphore(%run_scoped3A_36 : memref<!tpu.dma_semaphore, #tpu.memory_space<semaphore_mem>>) src(%dma_wait3A_44 : memref<640x128xf32, #tpu.memory_space<vmem_shared>>) dst(%dma_wait3A_42 : memref<640x128xf32, #tpu.memory_space<hbm>>)
      tpu.yield
    }) : () -> ()
    return
  }
}

#map = affine_map<(d0, d1) -> (0, 0)>
#map1 = affine_map<(d0, d1) -> (0, 0, 0, 0, 0)>
#map2 = affine_map<(d0, d1) -> (0, 0, 0)>
module attributes {stable_mosaic.version = 14 : i64} {
  func.func @k(%arg0: i32, %arg1: i32, %arg2: memref<10000x128xf32, #tpu.memory_space<hbm>>, %arg3: memref<32x2x2x40x128xi32, #tpu.memory_space<hbm>>, %arg4: memref<2x10240x128xf32, #tpu.memory_space<hbm>>, %arg5: memref<2x40x128xi32, #tpu.memory_space<vmem>>, %arg6: memref<256x128xf32, #tpu.memory_space<vmem>>, %arg7: memref<32x128xf32, #tpu.memory_space<vmem>>, %arg8: memref<10240x128xf32, #tpu.memory_space<vmem_shared>>, %arg9: memref<2x!tpu.dma_semaphore, #tpu.memory_space<semaphore_mem>>) attributes {dimension_semantics = [#tpu.dimension_semantics<core_parallel>, #tpu.dimension_semantics<subcore_parallel>], iteration_bounds = array<i64: 2, 16>, scalar_prefetch = 0 : i64, scratch_operands = 5 : i64, tpu.core_type = #tpu.core_type<sc_vector_subcore>, window_params = [{transform_indices = #map}, {transform_indices = #map1}, {transform_indices = #map2}]} {
    %mul3A = arith.constant 16 : i32
    %mul3A_0 = arith.muli %arg0, %mul3A : i32
    %add3A = arith.addi %mul3A_0, %arg1 : i32
    %run_scoped3A = arith.constant 0 : i32
    "tpu.region"() ({
      %run_scoped3A_36 = tpu.sem_alloc : memref<!tpu.dma_semaphore, #tpu.memory_space<semaphore_mem>>
      %dma_start3A = arith.constant 0 : i32
      %dma_start3A_37 = arith.constant 0 : i32
      %dma_start3A_38 = arith.constant 0 : i32
      %dma_start3A_39 = tpu.memref_slice %arg3[%add3A, %run_scoped3A, %dma_start3A, %dma_start3A_37, %dma_start3A_38] : memref<32x2x2x40x128xi32, #tpu.memory_space<hbm>> -> memref<1x1x2x40x128xi32, #tpu.memory_space<hbm>>
      %dma_start3A_40 = tpu.memref_squeeze %dma_start3A_39 : memref<1x1x2x40x128xi32, #tpu.memory_space<hbm>> -> memref<2x40x128xi32, #tpu.memory_space<hbm>>
      %dma_start3A_41 = arith.constant 0 : i32
      %dma_start3A_42 = arith.constant 0 : i32
      %dma_start3A_43 = arith.constant 0 : i32
      %dma_start3A_44 = tpu.memref_slice %arg3[%add3A, %run_scoped3A, %dma_start3A_41, %dma_start3A_42, %dma_start3A_43] : memref<32x2x2x40x128xi32, #tpu.memory_space<hbm>> -> memref<1x1x2x40x128xi32, #tpu.memory_space<hbm>>
      %dma_start3A_45 = tpu.memref_squeeze %dma_start3A_44 : memref<1x1x2x40x128xi32, #tpu.memory_space<hbm>> -> memref<2x40x128xi32, #tpu.memory_space<hbm>>
      tpu.enqueue_dma source(%dma_start3A_45 : memref<2x40x128xi32, #tpu.memory_space<hbm>>) target(%arg5 : memref<2x40x128xi32, #tpu.memory_space<vmem>>) target_semaphore(%run_scoped3A_36 : memref<!tpu.dma_semaphore, #tpu.memory_space<semaphore_mem>>)
      %dma_wait3A = arith.constant 0 : i32
      %dma_wait3A_46 = arith.constant 0 : i32
      %dma_wait3A_47 = arith.constant 0 : i32
      %dma_wait3A_48 = tpu.memref_slice %arg3[%add3A, %run_scoped3A, %dma_wait3A, %dma_wait3A_46, %dma_wait3A_47] : memref<32x2x2x40x128xi32, #tpu.memory_space<hbm>> -> memref<1x1x2x40x128xi32, #tpu.memory_space<hbm>>
      %dma_wait3A_49 = tpu.memref_squeeze %dma_wait3A_48 : memref<1x1x2x40x128xi32, #tpu.memory_space<hbm>> -> memref<2x40x128xi32, #tpu.memory_space<hbm>>
      %dma_wait3A_50 = arith.constant 0 : i32
      %dma_wait3A_51 = arith.constant 0 : i32
      %dma_wait3A_52 = arith.constant 0 : i32
      %dma_wait3A_53 = tpu.memref_slice %arg3[%add3A, %run_scoped3A, %dma_wait3A_50, %dma_wait3A_51, %dma_wait3A_52] : memref<32x2x2x40x128xi32, #tpu.memory_space<hbm>> -> memref<1x1x2x40x128xi32, #tpu.memory_space<hbm>>
      %dma_wait3A_54 = tpu.memref_squeeze %dma_wait3A_53 : memref<1x1x2x40x128xi32, #tpu.memory_space<hbm>> -> memref<2x40x128xi32, #tpu.memory_space<hbm>>
      tpu.wait_dma2 semaphore(%run_scoped3A_36 : memref<!tpu.dma_semaphore, #tpu.memory_space<semaphore_mem>>) src(%dma_wait3A_54 : memref<2x40x128xi32, #tpu.memory_space<hbm>>) dst(%arg5 : memref<2x40x128xi32, #tpu.memory_space<vmem>>)
      tpu.yield
    }) : () -> ()
    %scan3A = arith.constant 0 : i32
    %scan3A_1 = arith.constant 2 : i32
    %scan3A_2 = arith.addi %scan3A, %scan3A_1 : i32
    %scan3A_3 = arith.constant 1 : i32
    scf.for %scan3A_36 = %scan3A to %scan3A_2 step %scan3A_3  : i32 {
      %mul3A_37 = arith.constant 1 : i32
      %mul3A_38 = arith.muli %scan3A_36, %mul3A_37 : i32
      %add3A_39 = arith.constant 0 : i32
      %add3A_40 = arith.addi %add3A_39, %mul3A_38 : i32
      %and3A = arith.constant 1 : i32
      %and3A_41 = arith.andi %add3A_40, %and3A : i32
      %mul3A_42 = arith.constant 128 : i32
      %mul3A_43 = arith.muli %and3A_41, %mul3A_42 : i32
      %and3A_44 = arith.constant 1 : i32
      %and3A_45 = arith.andi %add3A_40, %and3A_44 : i32
      %dma_start3A = arith.constant 0 : i32
      %dma_start3A_46 = arith.constant 0 : i32
      %dma_start3A_47 = tpu.memref_slice %arg6[%mul3A_43, %dma_start3A_46] : memref<256x128xf32, #tpu.memory_space<vmem>> -> memref<128x128xf32, #tpu.memory_space<vmem>>
      %dma_start3A_48 = arith.constant 0 : i32
      %dma_start3A_49 = tpu.memref_slice %arg5[%dma_start3A, %add3A_40, %dma_start3A_48] : memref<2x40x128xi32, #tpu.memory_space<vmem>> -> memref<1x1x128xi32, #tpu.memory_space<vmem>>
      %dma_start3A_50 = tpu.memref_squeeze %dma_start3A_49 : memref<1x1x128xi32, #tpu.memory_space<vmem>> -> memref<128xi32, #tpu.memory_space<vmem>>
      %dma_start3A_51 = arith.constant 0 : i32
      %dma_start3A_52 = arith.constant 0 : i32
      %dma_start3A_53 = tpu.memref_slice %arg2[%dma_start3A_51, %dma_start3A_52] : memref<10000x128xf32, #tpu.memory_space<hbm>> -> memref<10000x128xf32, #tpu.memory_space<hbm>>
      %dma_start3A_54 = tpu.memref_slice %arg9[%and3A_45] : memref<2x!tpu.dma_semaphore, #tpu.memory_space<semaphore_mem>> -> memref<1x!tpu.dma_semaphore, #tpu.memory_space<semaphore_mem>>
      %dma_start3A_55 = tpu.memref_squeeze %dma_start3A_54 : memref<1x!tpu.dma_semaphore, #tpu.memory_space<semaphore_mem>> -> memref<!tpu.dma_semaphore, #tpu.memory_space<semaphore_mem>>
      tpu.enqueue_indirect_dma source(%dma_start3A_53 : memref<10000x128xf32, #tpu.memory_space<hbm>>) target(%dma_start3A_47 : memref<128x128xf32, #tpu.memory_space<vmem>>) offsets(%dma_start3A_50 : memref<128xi32, #tpu.memory_space<vmem>>) semaphore(%dma_start3A_55 : memref<!tpu.dma_semaphore, #tpu.memory_space<semaphore_mem>>)
    }
    %scan3A_4 = arith.constant 2 : i32
    %scan3A_5 = arith.constant 0 : i32
    %scan3A_6 = arith.constant 32 : i32
    %scan3A_7 = arith.addi %scan3A_5, %scan3A_6 : i32
    %scan3A_8 = arith.constant 1 : i32
    scf.for %scan3A_36 = %scan3A_5 to %scan3A_7 step %scan3A_8  : i32 {
      %mul3A_37 = arith.constant 1 : i32
      %mul3A_38 = arith.muli %scan3A_36, %mul3A_37 : i32
      %add3A_39 = arith.constant 0 : i32
      %add3A_40 = arith.addi %add3A_39, %mul3A_38 : i32
      %broadcast_in_dim3A = arith.constant 0.000000e+00 : f32
      %broadcast_in_dim3A_41 = vector.broadcast %broadcast_in_dim3A : f32 to vector<16xf32>
      %swap3A = arith.index_cast %add3A_40 : i32 to index
      %swap3A_42 = arith.constant 0 : index
      %swap3A_43 = tpu.vector_load %arg7[%swap3A, %swap3A_42] {strides = array<i32>} : memref<32x128xf32, #tpu.memory_space<vmem>>, vector<1x16xf32>,
      %swap3A_44 = vector.shape_cast %swap3A_43 : vector<1x16xf32> to vector<16xf32>
      %swap3A_45 = vector.shape_cast %broadcast_in_dim3A_41 : vector<16xf32> to vector<1x16xf32>
      tpu.vector_store %arg7[%swap3A, %swap3A_42], %swap3A_45 {strides = array<i32>} : memref<32x128xf32, #tpu.memory_space<vmem>>, vector<1x16xf32>,
      %broadcast_in_dim3A_46 = arith.constant 0.000000e+00 : f32
      %broadcast_in_dim3A_47 = vector.broadcast %broadcast_in_dim3A_46 : f32 to vector<16xf32>
      %swap3A_48 = arith.index_cast %add3A_40 : i32 to index
      %swap3A_49 = arith.constant 16 : index
      %swap3A_50 = tpu.vector_load %arg7[%swap3A_48, %swap3A_49] {strides = array<i32>} : memref<32x128xf32, #tpu.memory_space<vmem>>, vector<1x16xf32>,
      %swap3A_51 = vector.shape_cast %swap3A_50 : vector<1x16xf32> to vector<16xf32>
      %swap3A_52 = vector.shape_cast %broadcast_in_dim3A_47 : vector<16xf32> to vector<1x16xf32>
      tpu.vector_store %arg7[%swap3A_48, %swap3A_49], %swap3A_52 {strides = array<i32>} : memref<32x128xf32, #tpu.memory_space<vmem>>, vector<1x16xf32>,
      %broadcast_in_dim3A_53 = arith.constant 0.000000e+00 : f32
      %broadcast_in_dim3A_54 = vector.broadcast %broadcast_in_dim3A_53 : f32 to vector<16xf32>
      %swap3A_55 = arith.index_cast %add3A_40 : i32 to index
      %swap3A_56 = arith.constant 32 : index
      %swap3A_57 = tpu.vector_load %arg7[%swap3A_55, %swap3A_56] {strides = array<i32>} : memref<32x128xf32, #tpu.memory_space<vmem>>, vector<1x16xf32>,
      %swap3A_58 = vector.shape_cast %swap3A_57 : vector<1x16xf32> to vector<16xf32>
      %swap3A_59 = vector.shape_cast %broadcast_in_dim3A_54 : vector<16xf32> to vector<1x16xf32>
      tpu.vector_store %arg7[%swap3A_55, %swap3A_56], %swap3A_59 {strides = array<i32>} : memref<32x128xf32, #tpu.memory_space<vmem>>, vector<1x16xf32>,
      %broadcast_in_dim3A_60 = arith.constant 0.000000e+00 : f32
      %broadcast_in_dim3A_61 = vector.broadcast %broadcast_in_dim3A_60 : f32 to vector<16xf32>
      %swap3A_62 = arith.index_cast %add3A_40 : i32 to index
      %swap3A_63 = arith.constant 48 : index
      %swap3A_64 = tpu.vector_load %arg7[%swap3A_62, %swap3A_63] {strides = array<i32>} : memref<32x128xf32, #tpu.memory_space<vmem>>, vector<1x16xf32>,
      %swap3A_65 = vector.shape_cast %swap3A_64 : vector<1x16xf32> to vector<16xf32>
      %swap3A_66 = vector.shape_cast %broadcast_in_dim3A_61 : vector<16xf32> to vector<1x16xf32>
      tpu.vector_store %arg7[%swap3A_62, %swap3A_63], %swap3A_66 {strides = array<i32>} : memref<32x128xf32, #tpu.memory_space<vmem>>, vector<1x16xf32>,
      %broadcast_in_dim3A_67 = arith.constant 0.000000e+00 : f32
      %broadcast_in_dim3A_68 = vector.broadcast %broadcast_in_dim3A_67 : f32 to vector<16xf32>
      %swap3A_69 = arith.index_cast %add3A_40 : i32 to index
      %swap3A_70 = arith.constant 64 : index
      %swap3A_71 = tpu.vector_load %arg7[%swap3A_69, %swap3A_70] {strides = array<i32>} : memref<32x128xf32, #tpu.memory_space<vmem>>, vector<1x16xf32>,
      %swap3A_72 = vector.shape_cast %swap3A_71 : vector<1x16xf32> to vector<16xf32>
      %swap3A_73 = vector.shape_cast %broadcast_in_dim3A_68 : vector<16xf32> to vector<1x16xf32>
      tpu.vector_store %arg7[%swap3A_69, %swap3A_70], %swap3A_73 {strides = array<i32>} : memref<32x128xf32, #tpu.memory_space<vmem>>, vector<1x16xf32>,
      %broadcast_in_dim3A_74 = arith.constant 0.000000e+00 : f32
      %broadcast_in_dim3A_75 = vector.broadcast %broadcast_in_dim3A_74 : f32 to vector<16xf32>
      %swap3A_76 = arith.index_cast %add3A_40 : i32 to index
      %swap3A_77 = arith.constant 80 : index
      %swap3A_78 = tpu.vector_load %arg7[%swap3A_76, %swap3A_77] {strides = array<i32>} : memref<32x128xf32, #tpu.memory_space<vmem>>, vector<1x16xf32>,
      %swap3A_79 = vector.shape_cast %swap3A_78 : vector<1x16xf32> to vector<16xf32>
      %swap3A_80 = vector.shape_cast %broadcast_in_dim3A_75 : vector<16xf32> to vector<1x16xf32>
      tpu.vector_store %arg7[%swap3A_76, %swap3A_77], %swap3A_80 {strides = array<i32>} : memref<32x128xf32, #tpu.memory_space<vmem>>, vector<1x16xf32>,
      %broadcast_in_dim3A_81 = arith.constant 0.000000e+00 : f32
      %broadcast_in_dim3A_82 = vector.broadcast %broadcast_in_dim3A_81 : f32 to vector<16xf32>
      %swap3A_83 = arith.index_cast %add3A_40 : i32 to index
      %swap3A_84 = arith.constant 96 : index
      %swap3A_85 = tpu.vector_load %arg7[%swap3A_83, %swap3A_84] {strides = array<i32>} : memref<32x128xf32, #tpu.memory_space<vmem>>, vector<1x16xf32>,
      %swap3A_86 = vector.shape_cast %swap3A_85 : vector<1x16xf32> to vector<16xf32>
      %swap3A_87 = vector.shape_cast %broadcast_in_dim3A_82 : vector<16xf32> to vector<1x16xf32>
      tpu.vector_store %arg7[%swap3A_83, %swap3A_84], %swap3A_87 {strides = array<i32>} : memref<32x128xf32, #tpu.memory_space<vmem>>, vector<1x16xf32>,
      %broadcast_in_dim3A_88 = arith.constant 0.000000e+00 : f32
      %broadcast_in_dim3A_89 = vector.broadcast %broadcast_in_dim3A_88 : f32 to vector<16xf32>
      %swap3A_90 = arith.index_cast %add3A_40 : i32 to index
      %swap3A_91 = arith.constant 112 : index
      %swap3A_92 = tpu.vector_load %arg7[%swap3A_90, %swap3A_91] {strides = array<i32>} : memref<32x128xf32, #tpu.memory_space<vmem>>, vector<1x16xf32>,
      %swap3A_93 = vector.shape_cast %swap3A_92 : vector<1x16xf32> to vector<16xf32>
      %swap3A_94 = vector.shape_cast %broadcast_in_dim3A_89 : vector<16xf32> to vector<1x16xf32>
      tpu.vector_store %arg7[%swap3A_90, %swap3A_91], %swap3A_94 {strides = array<i32>} : memref<32x128xf32, #tpu.memory_space<vmem>>, vector<1x16xf32>,
    }
    %scan3A_9 = arith.constant 32 : i32
    %scan3A_10 = arith.constant 0 : i32
    %scan3A_11 = arith.constant 20 : i32
    %scan3A_12 = arith.addi %scan3A_10, %scan3A_11 : i32
    %scan3A_13 = arith.constant 1 : i32
    scf.for %scan3A_36 = %scan3A_10 to %scan3A_12 step %scan3A_13  : i32 {
      %mul3A_37 = arith.constant 32 : i32
      %mul3A_38 = arith.muli %scan3A_36, %mul3A_37 : i32
      %add3A_39 = arith.constant 0 : i32
      %add3A_40 = arith.addi %add3A_39, %mul3A_38 : i32
      %mul3A_41 = arith.constant 640 : i32
      %mul3A_42 = arith.muli %arg1, %mul3A_41 : i32
      %add3A_43 = arith.addi %mul3A_42, %add3A_40 : i32
      "tpu.region"() ({
        %run_scoped3A_44 = tpu.sem_alloc : memref<!tpu.dma_semaphore, #tpu.memory_space<semaphore_mem>>
        %dma_start3A = arith.constant 0 : i32
        %dma_start3A_45 = tpu.memref_slice %arg8[%add3A_43, %dma_start3A] : memref<10240x128xf32, #tpu.memory_space<vmem_shared>> -> memref<32x128xf32, #tpu.memory_space<vmem_shared>>
        %dma_start3A_46 = arith.constant 0 : i32
        %dma_start3A_47 = tpu.memref_slice %arg8[%add3A_43, %dma_start3A_46] : memref<10240x128xf32, #tpu.memory_space<vmem_shared>> -> memref<32x128xf32, #tpu.memory_space<vmem_shared>>
        tpu.enqueue_dma source(%arg7 : memref<32x128xf32, #tpu.memory_space<vmem>>) target(%dma_start3A_47 : memref<32x128xf32, #tpu.memory_space<vmem_shared>>) target_semaphore(%run_scoped3A_44 : memref<!tpu.dma_semaphore, #tpu.memory_space<semaphore_mem>>)
        %dma_wait3A = arith.constant 0 : i32
        %dma_wait3A_48 = tpu.memref_slice %arg8[%add3A_43, %dma_wait3A] : memref<10240x128xf32, #tpu.memory_space<vmem_shared>> -> memref<32x128xf32, #tpu.memory_space<vmem_shared>>
        %dma_wait3A_49 = arith.constant 0 : i32
        %dma_wait3A_50 = tpu.memref_slice %arg8[%add3A_43, %dma_wait3A_49] : memref<10240x128xf32, #tpu.memory_space<vmem_shared>> -> memref<32x128xf32, #tpu.memory_space<vmem_shared>>
        tpu.wait_dma2 semaphore(%run_scoped3A_44 : memref<!tpu.dma_semaphore, #tpu.memory_space<semaphore_mem>>) src(%arg7 : memref<32x128xf32, #tpu.memory_space<vmem>>) dst(%dma_wait3A_50 : memref<32x128xf32, #tpu.memory_space<vmem_shared>>)
        tpu.yield
      }) : () -> ()
    }
    %scan3A_14 = arith.constant 20 : i32
    %barrier3A = arith.constant 0 : index
    tpu.barrier barrier_id(%barrier3A)
    %scan3A_15 = arith.constant 0 : i32
    %scan3A_16 = arith.constant 40 : i32
    %scan3A_17 = arith.addi %scan3A_15, %scan3A_16 : i32
    %scan3A_18 = arith.constant 1 : i32
    scf.for %scan3A_36 = %scan3A_15 to %scan3A_17 step %scan3A_18  : i32 {
      %mul3A_37 = arith.constant 1 : i32
      %mul3A_38 = arith.muli %scan3A_36, %mul3A_37 : i32
      %add3A_39 = arith.constant 0 : i32
      %add3A_40 = arith.addi %add3A_39, %mul3A_38 : i32
      %and3A = arith.constant 1 : i32
      %and3A_41 = arith.andi %add3A_40, %and3A : i32
      %mul3A_42 = arith.constant 128 : i32
      %mul3A_43 = arith.muli %and3A_41, %mul3A_42 : i32
      %and3A_44 = arith.constant 1 : i32
      %and3A_45 = arith.andi %add3A_40, %and3A_44 : i32
      %dma_wait3A = arith.constant 0 : i32
      %dma_wait3A_46 = arith.constant 0 : i32
      %dma_wait3A_47 = tpu.memref_slice %arg6[%mul3A_43, %dma_wait3A_46] : memref<256x128xf32, #tpu.memory_space<vmem>> -> memref<128x128xf32, #tpu.memory_space<vmem>>
      %dma_wait3A_48 = arith.constant 0 : i32
      %dma_wait3A_49 = tpu.memref_slice %arg5[%dma_wait3A, %add3A_40, %dma_wait3A_48] : memref<2x40x128xi32, #tpu.memory_space<vmem>> -> memref<1x1x128xi32, #tpu.memory_space<vmem>>
      %dma_wait3A_50 = tpu.memref_squeeze %dma_wait3A_49 : memref<1x1x128xi32, #tpu.memory_space<vmem>> -> memref<128xi32, #tpu.memory_space<vmem>>
      %dma_wait3A_51 = arith.constant 0 : i32
      %dma_wait3A_52 = arith.constant 0 : i32
      %dma_wait3A_53 = tpu.memref_slice %arg2[%dma_wait3A_51, %dma_wait3A_52] : memref<10000x128xf32, #tpu.memory_space<hbm>> -> memref<10000x128xf32, #tpu.memory_space<hbm>>
      %dma_wait3A_54 = tpu.memref_slice %arg9[%and3A_45] : memref<2x!tpu.dma_semaphore, #tpu.memory_space<semaphore_mem>> -> memref<1x!tpu.dma_semaphore, #tpu.memory_space<semaphore_mem>>
      %dma_wait3A_55 = tpu.memref_squeeze %dma_wait3A_54 : memref<1x!tpu.dma_semaphore, #tpu.memory_space<semaphore_mem>> -> memref<!tpu.dma_semaphore, #tpu.memory_space<semaphore_mem>>
      tpu.wait_indirect_dma semaphore(%dma_wait3A_55 : memref<!tpu.dma_semaphore, #tpu.memory_space<semaphore_mem>>) src(%dma_wait3A_53 : memref<10000x128xf32, #tpu.memory_space<hbm>>) dst(%dma_wait3A_47 : memref<128x128xf32, #tpu.memory_space<vmem>>)
      %run_scoped3A_56 = arith.constant 1 : i32
      "tpu.region"() ({
        %run_scoped3A_61 = tpu.sem_alloc : memref<!tpu.dma_semaphore, #tpu.memory_space<semaphore_mem>>
        %dma_start3A = arith.constant 0 : i32
        %dma_start3A_62 = tpu.memref_slice %arg6[%mul3A_43, %dma_start3A] : memref<256x128xf32, #tpu.memory_space<vmem>> -> memref<128x128xf32, #tpu.memory_space<vmem>>
        %dma_start3A_63 = arith.constant 0 : i32
        %dma_start3A_64 = tpu.memref_slice %arg5[%run_scoped3A_56, %add3A_40, %dma_start3A_63] : memref<2x40x128xi32, #tpu.memory_space<vmem>> -> memref<1x1x128xi32, #tpu.memory_space<vmem>>
        %dma_start3A_65 = tpu.memref_squeeze %dma_start3A_64 : memref<1x1x128xi32, #tpu.memory_space<vmem>> -> memref<128xi32, #tpu.memory_space<vmem>>
        %dma_start3A_66 = arith.constant 0 : i32
        %dma_start3A_67 = arith.constant 0 : i32
        %dma_start3A_68 = tpu.memref_slice %arg8[%dma_start3A_66, %dma_start3A_67] : memref<10240x128xf32, #tpu.memory_space<vmem_shared>> -> memref<10240x128xf32, #tpu.memory_space<vmem_shared>>
        tpu.enqueue_indirect_dma source(%dma_start3A_62 : memref<128x128xf32, #tpu.memory_space<vmem>>) target(%dma_start3A_68 : memref<10240x128xf32, #tpu.memory_space<vmem_shared>>) offsets(%dma_start3A_65 : memref<128xi32, #tpu.memory_space<vmem>>) semaphore(%run_scoped3A_61 : memref<!tpu.dma_semaphore, #tpu.memory_space<semaphore_mem>>) {add = true}
        %dma_wait3A_69 = arith.constant 0 : i32
        %dma_wait3A_70 = tpu.memref_slice %arg6[%mul3A_43, %dma_wait3A_69] : memref<256x128xf32, #tpu.memory_space<vmem>> -> memref<128x128xf32, #tpu.memory_space<vmem>>
        %dma_wait3A_71 = arith.constant 0 : i32
        %dma_wait3A_72 = tpu.memref_slice %arg5[%run_scoped3A_56, %add3A_40, %dma_wait3A_71] : memref<2x40x128xi32, #tpu.memory_space<vmem>> -> memref<1x1x128xi32, #tpu.memory_space<vmem>>
        %dma_wait3A_73 = tpu.memref_squeeze %dma_wait3A_72 : memref<1x1x128xi32, #tpu.memory_space<vmem>> -> memref<128xi32, #tpu.memory_space<vmem>>
        %dma_wait3A_74 = arith.constant 0 : i32
        %dma_wait3A_75 = arith.constant 0 : i32
        %dma_wait3A_76 = tpu.memref_slice %arg8[%dma_wait3A_74, %dma_wait3A_75] : memref<10240x128xf32, #tpu.memory_space<vmem_shared>> -> memref<10240x128xf32, #tpu.memory_space<vmem_shared>>
        tpu.wait_indirect_dma semaphore(%run_scoped3A_61 : memref<!tpu.dma_semaphore, #tpu.memory_space<semaphore_mem>>) src(%dma_wait3A_70 : memref<128x128xf32, #tpu.memory_space<vmem>>) dst(%dma_wait3A_76 : memref<10240x128xf32, #tpu.memory_space<vmem_shared>>)
        tpu.yield
      }) : () -> ()
      %add3A_57 = arith.constant 2 : i32
      %add3A_58 = arith.addi %add3A_40, %add3A_57 : i32
      %lt3A = arith.constant 40 : i32
      %lt3A_59 = arith.cmpi slt, %add3A_58, %lt3A : i32
      %convert_element_type3A = arith.extui %lt3A_59 : i1 to i32
      %cond3A = arith.constant 0 : i32
      %cond3A_60 = arith.cmpi ne, %convert_element_type3A, %cond3A : i32
      scf.if %cond3A_60 {
        %add3A_61 = arith.constant 2 : i32
        %add3A_62 = arith.addi %add3A_40, %add3A_61 : i32
        %and3A_63 = arith.constant 1 : i32
        %and3A_64 = arith.andi %add3A_40, %and3A_63 : i32
        %dma_start3A = arith.constant 0 : i32
        %dma_start3A_65 = arith.constant 0 : i32
        %dma_start3A_66 = tpu.memref_slice %arg6[%mul3A_43, %dma_start3A_65] : memref<256x128xf32, #tpu.memory_space<vmem>> -> memref<128x128xf32, #tpu.memory_space<vmem>>
        %dma_start3A_67 = arith.constant 0 : i32
        %dma_start3A_68 = tpu.memref_slice %arg5[%dma_start3A, %add3A_62, %dma_start3A_67] : memref<2x40x128xi32, #tpu.memory_space<vmem>> -> memref<1x1x128xi32, #tpu.memory_space<vmem>>
        %dma_start3A_69 = tpu.memref_squeeze %dma_start3A_68 : memref<1x1x128xi32, #tpu.memory_space<vmem>> -> memref<128xi32, #tpu.memory_space<vmem>>
        %dma_start3A_70 = arith.constant 0 : i32
        %dma_start3A_71 = arith.constant 0 : i32
        %dma_start3A_72 = tpu.memref_slice %arg2[%dma_start3A_70, %dma_start3A_71] : memref<10000x128xf32, #tpu.memory_space<hbm>> -> memref<10000x128xf32, #tpu.memory_space<hbm>>
        %dma_start3A_73 = tpu.memref_slice %arg9[%and3A_64] : memref<2x!tpu.dma_semaphore, #tpu.memory_space<semaphore_mem>> -> memref<1x!tpu.dma_semaphore, #tpu.memory_space<semaphore_mem>>
        %dma_start3A_74 = tpu.memref_squeeze %dma_start3A_73 : memref<1x!tpu.dma_semaphore, #tpu.memory_space<semaphore_mem>> -> memref<!tpu.dma_semaphore, #tpu.memory_space<semaphore_mem>>
        tpu.enqueue_indirect_dma source(%dma_start3A_72 : memref<10000x128xf32, #tpu.memory_space<hbm>>) target(%dma_start3A_66 : memref<128x128xf32, #tpu.memory_space<vmem>>) offsets(%dma_start3A_69 : memref<128xi32, #tpu.memory_space<vmem>>) semaphore(%dma_start3A_74 : memref<!tpu.dma_semaphore, #tpu.memory_space<semaphore_mem>>)
      } else {
      }
    }
    %scan3A_19 = arith.constant 40 : i32
    %run_scoped3A_20 = arith.constant 1 : i32
    "tpu.region"() ({
      %run_scoped3A_36 = tpu.sem_alloc : memref<!tpu.dma_semaphore, #tpu.memory_space<semaphore_mem>>
      %dma_start3A = arith.constant 0 : i32
      %dma_start3A_37 = arith.constant 0 : i32
      %dma_start3A_38 = arith.constant 0 : i32
      %dma_start3A_39 = tpu.memref_slice %arg3[%add3A, %run_scoped3A_20, %dma_start3A, %dma_start3A_37, %dma_start3A_38] : memref<32x2x2x40x128xi32, #tpu.memory_space<hbm>> -> memref<1x1x2x40x128xi32, #tpu.memory_space<hbm>>
      %dma_start3A_40 = tpu.memref_squeeze %dma_start3A_39 : memref<1x1x2x40x128xi32, #tpu.memory_space<hbm>> -> memref<2x40x128xi32, #tpu.memory_space<hbm>>
      %dma_start3A_41 = arith.constant 0 : i32
      %dma_start3A_42 = arith.constant 0 : i32
      %dma_start3A_43 = arith.constant 0 : i32
      %dma_start3A_44 = tpu.memref_slice %arg3[%add3A, %run_scoped3A_20, %dma_start3A_41, %dma_start3A_42, %dma_start3A_43] : memref<32x2x2x40x128xi32, #tpu.memory_space<hbm>> -> memref<1x1x2x40x128xi32, #tpu.memory_space<hbm>>
      %dma_start3A_45 = tpu.memref_squeeze %dma_start3A_44 : memref<1x1x2x40x128xi32, #tpu.memory_space<hbm>> -> memref<2x40x128xi32, #tpu.memory_space<hbm>>
      tpu.enqueue_dma source(%dma_start3A_45 : memref<2x40x128xi32, #tpu.memory_space<hbm>>) target(%arg5 : memref<2x40x128xi32, #tpu.memory_space<vmem>>) target_semaphore(%run_scoped3A_36 : memref<!tpu.dma_semaphore, #tpu.memory_space<semaphore_mem>>)
      %dma_wait3A = arith.constant 0 : i32
      %dma_wait3A_46 = arith.constant 0 : i32
      %dma_wait3A_47 = arith.constant 0 : i32
      %dma_wait3A_48 = tpu.memref_slice %arg3[%add3A, %run_scoped3A_20, %dma_wait3A, %dma_wait3A_46, %dma_wait3A_47] : memref<32x2x2x40x128xi32, #tpu.memory_space<hbm>> -> memref<1x1x2x40x128xi32, #tpu.memory_space<hbm>>
      %dma_wait3A_49 = tpu.memref_squeeze %dma_wait3A_48 : memref<1x1x2x40x128xi32, #tpu.memory_space<hbm>> -> memref<2x40x128xi32, #tpu.memory_space<hbm>>
      %dma_wait3A_50 = arith.constant 0 : i32
      %dma_wait3A_51 = arith.constant 0 : i32
      %dma_wait3A_52 = arith.constant 0 : i32
      %dma_wait3A_53 = tpu.memref_slice %arg3[%add3A, %run_scoped3A_20, %dma_wait3A_50, %dma_wait3A_51, %dma_wait3A_52] : memref<32x2x2x40x128xi32, #tpu.memory_space<hbm>> -> memref<1x1x2x40x128xi32, #tpu.memory_space<hbm>>
      %dma_wait3A_54 = tpu.memref_squeeze %dma_wait3A_53 : memref<1x1x2x40x128xi32, #tpu.memory_space<hbm>> -> memref<2x40x128xi32, #tpu.memory_space<hbm>>
      tpu.wait_dma2 semaphore(%run_scoped3A_36 : memref<!tpu.dma_semaphore, #tpu.memory_space<semaphore_mem>>) src(%dma_wait3A_54 : memref<2x40x128xi32, #tpu.memory_space<hbm>>) dst(%arg5 : memref<2x40x128xi32, #tpu.memory_space<vmem>>)
      tpu.yield
    }) : () -> ()
    %scan3A_21 = arith.constant 0 : i32
    %scan3A_22 = arith.constant 2 : i32
    %scan3A_23 = arith.addi %scan3A_21, %scan3A_22 : i32
    %scan3A_24 = arith.constant 1 : i32
    scf.for %scan3A_36 = %scan3A_21 to %scan3A_23 step %scan3A_24  : i32 {
      %mul3A_37 = arith.constant 1 : i32
      %mul3A_38 = arith.muli %scan3A_36, %mul3A_37 : i32
      %add3A_39 = arith.constant 0 : i32
      %add3A_40 = arith.addi %add3A_39, %mul3A_38 : i32
      %and3A = arith.constant 1 : i32
      %and3A_41 = arith.andi %add3A_40, %and3A : i32
      %mul3A_42 = arith.constant 128 : i32
      %mul3A_43 = arith.muli %and3A_41, %mul3A_42 : i32
      %and3A_44 = arith.constant 1 : i32
      %and3A_45 = arith.andi %add3A_40, %and3A_44 : i32
      %dma_start3A = arith.constant 0 : i32
      %dma_start3A_46 = arith.constant 0 : i32
      %dma_start3A_47 = tpu.memref_slice %arg6[%mul3A_43, %dma_start3A_46] : memref<256x128xf32, #tpu.memory_space<vmem>> -> memref<128x128xf32, #tpu.memory_space<vmem>>
      %dma_start3A_48 = arith.constant 0 : i32
      %dma_start3A_49 = tpu.memref_slice %arg5[%dma_start3A, %add3A_40, %dma_start3A_48] : memref<2x40x128xi32, #tpu.memory_space<vmem>> -> memref<1x1x128xi32, #tpu.memory_space<vmem>>
      %dma_start3A_50 = tpu.memref_squeeze %dma_start3A_49 : memref<1x1x128xi32, #tpu.memory_space<vmem>> -> memref<128xi32, #tpu.memory_space<vmem>>
      %dma_start3A_51 = arith.constant 0 : i32
      %dma_start3A_52 = arith.constant 0 : i32
      %dma_start3A_53 = tpu.memref_slice %arg2[%dma_start3A_51, %dma_start3A_52] : memref<10000x128xf32, #tpu.memory_space<hbm>> -> memref<10000x128xf32, #tpu.memory_space<hbm>>
      %dma_start3A_54 = tpu.memref_slice %arg9[%and3A_45] : memref<2x!tpu.dma_semaphore, #tpu.memory_space<semaphore_mem>> -> memref<1x!tpu.dma_semaphore, #tpu.memory_space<semaphore_mem>>
      %dma_start3A_55 = tpu.memref_squeeze %dma_start3A_54 : memref<1x!tpu.dma_semaphore, #tpu.memory_space<semaphore_mem>> -> memref<!tpu.dma_semaphore, #tpu.memory_space<semaphore_mem>>
      tpu.enqueue_indirect_dma source(%dma_start3A_53 : memref<10000x128xf32, #tpu.memory_space<hbm>>) target(%dma_start3A_47 : memref<128x128xf32, #tpu.memory_space<vmem>>) offsets(%dma_start3A_50 : memref<128xi32, #tpu.memory_space<vmem>>) semaphore(%dma_start3A_55 : memref<!tpu.dma_semaphore, #tpu.memory_space<semaphore_mem>>)
    }
    %scan3A_25 = arith.constant 2 : i32
    %scan3A_26 = arith.constant 0 : i32
    %scan3A_27 = arith.constant 40 : i32
    %scan3A_28 = arith.addi %scan3A_26, %scan3A_27 : i32
    %scan3A_29 = arith.constant 1 : i32
    scf.for %scan3A_36 = %scan3A_26 to %scan3A_28 step %scan3A_29  : i32 {
      %mul3A_37 = arith.constant 1 : i32
      %mul3A_38 = arith.muli %scan3A_36, %mul3A_37 : i32
      %add3A_39 = arith.constant 0 : i32
      %add3A_40 = arith.addi %add3A_39, %mul3A_38 : i32
      %and3A = arith.constant 1 : i32
      %and3A_41 = arith.andi %add3A_40, %and3A : i32
      %mul3A_42 = arith.constant 128 : i32
      %mul3A_43 = arith.muli %and3A_41, %mul3A_42 : i32
      %and3A_44 = arith.constant 1 : i32
      %and3A_45 = arith.andi %add3A_40, %and3A_44 : i32
      %dma_wait3A = arith.constant 0 : i32
      %dma_wait3A_46 = arith.constant 0 : i32
      %dma_wait3A_47 = tpu.memref_slice %arg6[%mul3A_43, %dma_wait3A_46] : memref<256x128xf32, #tpu.memory_space<vmem>> -> memref<128x128xf32, #tpu.memory_space<vmem>>
      %dma_wait3A_48 = arith.constant 0 : i32
      %dma_wait3A_49 = tpu.memref_slice %arg5[%dma_wait3A, %add3A_40, %dma_wait3A_48] : memref<2x40x128xi32, #tpu.memory_space<vmem>> -> memref<1x1x128xi32, #tpu.memory_space<vmem>>
      %dma_wait3A_50 = tpu.memref_squeeze %dma_wait3A_49 : memref<1x1x128xi32, #tpu.memory_space<vmem>> -> memref<128xi32, #tpu.memory_space<vmem>>
      %dma_wait3A_51 = arith.constant 0 : i32
      %dma_wait3A_52 = arith.constant 0 : i32
      %dma_wait3A_53 = tpu.memref_slice %arg2[%dma_wait3A_51, %dma_wait3A_52] : memref<10000x128xf32, #tpu.memory_space<hbm>> -> memref<10000x128xf32, #tpu.memory_space<hbm>>
      %dma_wait3A_54 = tpu.memref_slice %arg9[%and3A_45] : memref<2x!tpu.dma_semaphore, #tpu.memory_space<semaphore_mem>> -> memref<1x!tpu.dma_semaphore, #tpu.memory_space<semaphore_mem>>
      %dma_wait3A_55 = tpu.memref_squeeze %dma_wait3A_54 : memref<1x!tpu.dma_semaphore, #tpu.memory_space<semaphore_mem>> -> memref<!tpu.dma_semaphore, #tpu.memory_space<semaphore_mem>>
      tpu.wait_indirect_dma semaphore(%dma_wait3A_55 : memref<!tpu.dma_semaphore, #tpu.memory_space<semaphore_mem>>) src(%dma_wait3A_53 : memref<10000x128xf32, #tpu.memory_space<hbm>>) dst(%dma_wait3A_47 : memref<128x128xf32, #tpu.memory_space<vmem>>)
      %run_scoped3A_56 = arith.constant 1 : i32
      "tpu.region"() ({
        %run_scoped3A_61 = tpu.sem_alloc : memref<!tpu.dma_semaphore, #tpu.memory_space<semaphore_mem>>
        %dma_start3A = arith.constant 0 : i32
        %dma_start3A_62 = tpu.memref_slice %arg6[%mul3A_43, %dma_start3A] : memref<256x128xf32, #tpu.memory_space<vmem>> -> memref<128x128xf32, #tpu.memory_space<vmem>>
        %dma_start3A_63 = arith.constant 0 : i32
        %dma_start3A_64 = tpu.memref_slice %arg5[%run_scoped3A_56, %add3A_40, %dma_start3A_63] : memref<2x40x128xi32, #tpu.memory_space<vmem>> -> memref<1x1x128xi32, #tpu.memory_space<vmem>>
        %dma_start3A_65 = tpu.memref_squeeze %dma_start3A_64 : memref<1x1x128xi32, #tpu.memory_space<vmem>> -> memref<128xi32, #tpu.memory_space<vmem>>
        %dma_start3A_66 = arith.constant 0 : i32
        %dma_start3A_67 = arith.constant 0 : i32
        %dma_start3A_68 = tpu.memref_slice %arg8[%dma_start3A_66, %dma_start3A_67] : memref<10240x128xf32, #tpu.memory_space<vmem_shared>> -> memref<10240x128xf32, #tpu.memory_space<vmem_shared>>
        tpu.enqueue_indirect_dma source(%dma_start3A_62 : memref<128x128xf32, #tpu.memory_space<vmem>>) target(%dma_start3A_68 : memref<10240x128xf32, #tpu.memory_space<vmem_shared>>) offsets(%dma_start3A_65 : memref<128xi32, #tpu.memory_space<vmem>>) semaphore(%run_scoped3A_61 : memref<!tpu.dma_semaphore, #tpu.memory_space<semaphore_mem>>) {add = true}
        %dma_wait3A_69 = arith.constant 0 : i32
        %dma_wait3A_70 = tpu.memref_slice %arg6[%mul3A_43, %dma_wait3A_69] : memref<256x128xf32, #tpu.memory_space<vmem>> -> memref<128x128xf32, #tpu.memory_space<vmem>>
        %dma_wait3A_71 = arith.constant 0 : i32
        %dma_wait3A_72 = tpu.memref_slice %arg5[%run_scoped3A_56, %add3A_40, %dma_wait3A_71] : memref<2x40x128xi32, #tpu.memory_space<vmem>> -> memref<1x1x128xi32, #tpu.memory_space<vmem>>
        %dma_wait3A_73 = tpu.memref_squeeze %dma_wait3A_72 : memref<1x1x128xi32, #tpu.memory_space<vmem>> -> memref<128xi32, #tpu.memory_space<vmem>>
        %dma_wait3A_74 = arith.constant 0 : i32
        %dma_wait3A_75 = arith.constant 0 : i32
        %dma_wait3A_76 = tpu.memref_slice %arg8[%dma_wait3A_74, %dma_wait3A_75] : memref<10240x128xf32, #tpu.memory_space<vmem_shared>> -> memref<10240x128xf32, #tpu.memory_space<vmem_shared>>
        tpu.wait_indirect_dma semaphore(%run_scoped3A_61 : memref<!tpu.dma_semaphore, #tpu.memory_space<semaphore_mem>>) src(%dma_wait3A_70 : memref<128x128xf32, #tpu.memory_space<vmem>>) dst(%dma_wait3A_76 : memref<10240x128xf32, #tpu.memory_space<vmem_shared>>)
        tpu.yield
      }) : () -> ()
      %add3A_57 = arith.constant 2 : i32
      %add3A_58 = arith.addi %add3A_40, %add3A_57 : i32
      %lt3A = arith.constant 40 : i32
      %lt3A_59 = arith.cmpi slt, %add3A_58, %lt3A : i32
      %convert_element_type3A = arith.extui %lt3A_59 : i1 to i32
      %cond3A = arith.constant 0 : i32
      %cond3A_60 = arith.cmpi ne, %convert_element_type3A, %cond3A : i32
      scf.if %cond3A_60 {
        %add3A_61 = arith.constant 2 : i32
        %add3A_62 = arith.addi %add3A_40, %add3A_61 : i32
        %and3A_63 = arith.constant 1 : i32
        %and3A_64 = arith.andi %add3A_40, %and3A_63 : i32
        %dma_start3A = arith.constant 0 : i32
        %dma_start3A_65 = arith.constant 0 : i32
        %dma_start3A_66 = tpu.memref_slice %arg6[%mul3A_43, %dma_start3A_65] : memref<256x128xf32, #tpu.memory_space<vmem>> -> memref<128x128xf32, #tpu.memory_space<vmem>>
        %dma_start3A_67 = arith.constant 0 : i32
        %dma_start3A_68 = tpu.memref_slice %arg5[%dma_start3A, %add3A_62, %dma_start3A_67] : memref<2x40x128xi32, #tpu.memory_space<vmem>> -> memref<1x1x128xi32, #tpu.memory_space<vmem>>
        %dma_start3A_69 = tpu.memref_squeeze %dma_start3A_68 : memref<1x1x128xi32, #tpu.memory_space<vmem>> -> memref<128xi32, #tpu.memory_space<vmem>>
        %dma_start3A_70 = arith.constant 0 : i32
        %dma_start3A_71 = arith.constant 0 : i32
        %dma_start3A_72 = tpu.memref_slice %arg2[%dma_start3A_70, %dma_start3A_71] : memref<10000x128xf32, #tpu.memory_space<hbm>> -> memref<10000x128xf32, #tpu.memory_space<hbm>>
        %dma_start3A_73 = tpu.memref_slice %arg9[%and3A_64] : memref<2x!tpu.dma_semaphore, #tpu.memory_space<semaphore_mem>> -> memref<1x!tpu.dma_semaphore, #tpu.memory_space<semaphore_mem>>
        %dma_start3A_74 = tpu.memref_squeeze %dma_start3A_73 : memref<1x!tpu.dma_semaphore, #tpu.memory_space<semaphore_mem>> -> memref<!tpu.dma_semaphore, #tpu.memory_space<semaphore_mem>>
        tpu.enqueue_indirect_dma source(%dma_start3A_72 : memref<10000x128xf32, #tpu.memory_space<hbm>>) target(%dma_start3A_66 : memref<128x128xf32, #tpu.memory_space<vmem>>) offsets(%dma_start3A_69 : memref<128xi32, #tpu.memory_space<vmem>>) semaphore(%dma_start3A_74 : memref<!tpu.dma_semaphore, #tpu.memory_space<semaphore_mem>>)
      } else {
      }
    }
    %scan3A_30 = arith.constant 40 : i32
    %barrier3A_31 = arith.constant 0 : index
    tpu.barrier barrier_id(%barrier3A_31)
    %mul3A_32 = arith.constant 640 : i32
    %mul3A_33 = arith.muli %arg1, %mul3A_32 : i32
    %mul3A_34 = arith.constant 640 : i32
    %mul3A_35 = arith.muli %arg1, %mul3A_34 : i32
    "tpu.region"() ({
      %run_scoped3A_36 = tpu.sem_alloc : memref<!tpu.dma_semaphore, #tpu.memory_space<semaphore_mem>>
      %dma_start3A = arith.constant 0 : i32
      %dma_start3A_37 = tpu.memref_slice %arg4[%arg0, %mul3A_35, %dma_start3A] : memref<2x10240x128xf32, #tpu.memory_space<hbm>> -> memref<1x640x128xf32, #tpu.memory_space<hbm>>
      %dma_start3A_38 = tpu.memref_squeeze %dma_start3A_37 : memref<1x640x128xf32, #tpu.memory_space<hbm>> -> memref<640x128xf32, #tpu.memory_space<hbm>>
      %dma_start3A_39 = arith.constant 0 : i32
      %dma_start3A_40 = tpu.memref_slice %arg8[%mul3A_33, %dma_start3A_39] : memref<10240x128xf32, #tpu.memory_space<vmem_shared>> -> memref<640x128xf32, #tpu.memory_space<vmem_shared>>
      tpu.enqueue_dma source(%dma_start3A_40 : memref<640x128xf32, #tpu.memory_space<vmem_shared>>) target(%dma_start3A_38 : memref<640x128xf32, #tpu.memory_space<hbm>>) target_semaphore(%run_scoped3A_36 : memref<!tpu.dma_semaphore, #tpu.memory_space<semaphore_mem>>)
      %dma_wait3A = arith.constant 0 : i32
      %dma_wait3A_41 = tpu.memref_slice %arg4[%arg0, %mul3A_35, %dma_wait3A] : memref<2x10240x128xf32, #tpu.memory_space<hbm>> -> memref<1x640x128xf32, #tpu.memory_space<hbm>>
      %dma_wait3A_42 = tpu.memref_squeeze %dma_wait3A_41 : memref<1x640x128xf32, #tpu.memory_space<hbm>> -> memref<640x128xf32, #tpu.memory_space<hbm>>
      %dma_wait3A_43 = arith.constant 0 : i32
      %dma_wait3A_44 = tpu.memref_slice %arg8[%mul3A_33, %dma_wait3A_43] : memref<10240x128xf32, #tpu.memory_space<vmem_shared>> -> memref<640x128xf32, #tpu.memory_space<vmem_shared>>
      tpu.wait_dma2 semaphore(%run_scoped3A_36 : memref<!tpu.dma_semaphore, #tpu.memory_space<semaphore_mem>>) src(%dma_wait3A_44 : memref<640x128xf32, #tpu.memory_space<vmem_shared>>) dst(%dma_wait3A_42 : memref<640x128xf32, #tpu.memory_space<hbm>>)
      tpu.yield
    }) : () -> ()
    return
  }
}

module attributes {stable_mosaic.version = 14 : i64} {
  func.func @body(%arg0: i32, %arg1: memref<1000x128xf32, #tpu.memory_space<vmem>>, %arg2: memref<128x128xf32, #tpu.memory_space<vmem>>, %arg3: memref<1000x128xf32, #tpu.memory_space<vmem>>) attributes {dimension_semantics = [#tpu.dimension_semantics<arbitrary>], iteration_bounds = array<i64: 10>, scalar_prefetch = 0 : i64, scratch_operands = 0 : i64, tpu.core_type = #tpu.core_type<tc>, window_params = [{transform_indices = @transform_0, window_bounds = array<i64: 1000, 128>}, {pipeline_mode = #tpu.pipeline_mode<synchronous>, transform_indices = @transform_1, window_bounds = array<i64: 128, 128>}, {transform_indices = @transform_2, window_bounds = array<i64: 1000, 128>}]} {
    %get3A = arith.constant 0 : index
    %get3A_0 = arith.constant 0 : index
    %get3A_1 = vector.load %arg1[%get3A, %get3A_0] : memref<1000x128xf32, #tpu.memory_space<vmem>>, vector<1000x128xf32>
    %get3A_2 = arith.constant 0 : index
    %get3A_3 = arith.constant 0 : index
    %get3A_4 = vector.load %arg2[%get3A_2, %get3A_3] : memref<128x128xf32, #tpu.memory_space<vmem>>, vector<128x128xf32>
    %dot_general3A = arith.constant dense<0.000000e+00> : vector<1000x128xf32>
    %dot_general3A_5 = tpu.matmul %get3A_1, %get3A_4, %dot_general3A {dimension_numbers = #tpu.dot_dimension_numbers<[1], [0], [0], [1], [0, 0, 1, 1], [], []>, transpose_lhs_hint = false} : vector<1000x128xf32>, vector<128x128xf32>, vector<1000x128xf32> -> vector<1000x128xf32>
    %swap3A = arith.constant 0 : index
    %swap3A_6 = arith.constant 0 : index
    %swap3A_7 = vector.load %arg3[%swap3A, %swap3A_6] : memref<1000x128xf32, #tpu.memory_space<vmem>>, vector<1000x128xf32>
    tpu.vector_store %arg3[%swap3A, %swap3A_6], %dot_general3A_5 {strides = array<i32>} : memref<1000x128xf32, #tpu.memory_space<vmem>>, vector<1000x128xf32>,
    return
  }
  func.func @transform_0(%arg0: i32) -> (i32, i32) {
    %c0_i32 = arith.constant 0 : i32
    %c0_i32_0 = arith.constant 0 : i32
    return %arg0, %c0_i32 : i32, i32
  }
  func.func @transform_1(%arg0: i32) -> (i32, i32) {
    %c0_i32 = arith.constant 0 : i32
    %c0_i32_0 = arith.constant 0 : i32
    %c0_i32_1 = arith.constant 0 : i32
    return %c0_i32, %c0_i32_0 : i32, i32
  }
  func.func @transform_2(%arg0: i32) -> (i32, i32) {
    %c0_i32 = arith.constant 0 : i32
    %c0_i32_0 = arith.constant 0 : i32
    return %arg0, %c0_i32 : i32, i32
  }
}

module attributes {stable_mosaic.version = 14 : i64} {
  func.func @body(%arg0: i32, %arg1: memref<2x1000x128xf32, #tpu.memory_space<vmem>>, %arg2: memref<1000x128xf32, #tpu.memory_space<vmem>>, %arg3: memref<128x384xf32, #tpu.memory_space<vmem>>, %arg4: memref<128x384xf32, #tpu.memory_space<vmem>>, %arg5: memref<1x384xf32, #tpu.memory_space<vmem>>, %arg6: memref<1x384xf32, #tpu.memory_space<vmem>>, %arg7: memref<128x128xf32, #tpu.memory_space<vmem>>, %arg8: memref<1000x128xf32, #tpu.memory_space<vmem>>, %arg9: memref<1000x128xf32, #tpu.memory_space<vmem>>) attributes {dimension_semantics = [#tpu.dimension_semantics<arbitrary>], iteration_bounds = array<i64: 10>, scalar_prefetch = 0 : i64, scratch_operands = 0 : i64, tpu.core_type = #tpu.core_type<tc>, window_params = [{transform_indices = @transform_0, window_bounds = array<i64: 2, 1000, 128>}, {transform_indices = @transform_1, window_bounds = array<i64: 1000, 128>}, {pipeline_mode = #tpu.pipeline_mode<synchronous>, transform_indices = @transform_2, window_bounds = array<i64: 128, 384>}, {pipeline_mode = #tpu.pipeline_mode<synchronous>, transform_indices = @transform_3, window_bounds = array<i64: 128, 384>}, {pipeline_mode = #tpu.pipeline_mode<synchronous>, transform_indices = @transform_4, window_bounds = array<i64: 1, 384>}, {pipeline_mode = #tpu.pipeline_mode<synchronous>, transform_indices = @transform_5, window_bounds = array<i64: 1, 384>}, {pipeline_mode = #tpu.pipeline_mode<synchronous>, transform_indices = @transform_6, window_bounds = array<i64: 128, 128>}, {transform_indices = @transform_7, window_bounds = array<i64: 1000, 128>}, {transform_indices = @transform_8, window_bounds = array<i64: 1000, 128>}]} {
    %get3A = arith.constant 0 : index
    %get3A_0 = arith.constant 0 : index
    %get3A_1 = arith.constant 0 : index
    %get3A_2 = vector.load %arg1[%get3A, %get3A_0, %get3A_1] : memref<2x1000x128xf32, #tpu.memory_space<vmem>>, vector<1x1000x128xf32>
    %get3A_3 = vector.shape_cast %get3A_2 : vector<1x1000x128xf32> to vector<1000x128xf32>
    %get3A_4 = arith.constant 1 : index
    %get3A_5 = arith.constant 0 : index
    %get3A_6 = arith.constant 0 : index
    %get3A_7 = vector.load %arg1[%get3A_4, %get3A_5, %get3A_6] : memref<2x1000x128xf32, #tpu.memory_space<vmem>>, vector<1x1000x128xf32>
    %get3A_8 = vector.shape_cast %get3A_7 : vector<1x1000x128xf32> to vector<1000x128xf32>
    %add3A = arith.addf %get3A_3, %get3A_8 : vector<1000x128xf32>
    %get3A_9 = arith.constant 0 : index
    %get3A_10 = arith.constant 0 : index
    %get3A_11 = vector.load %arg2[%get3A_9, %get3A_10] : memref<1000x128xf32, #tpu.memory_space<vmem>>, vector<1000x128xf32>
    %get3A_12 = arith.constant 0 : index
    %get3A_13 = arith.constant 0 : index
    %get3A_14 = vector.load %arg3[%get3A_12, %get3A_13] : memref<128x384xf32, #tpu.memory_space<vmem>>, vector<128x384xf32>
    %dot_general3A = arith.constant dense<0.000000e+00> : vector<1000x384xf32>
    %dot_general3A_15 = tpu.matmul %add3A, %get3A_14, %dot_general3A {dimension_numbers = #tpu.dot_dimension_numbers<[1], [0], [0], [1], [0, 0, 1, 1], [], []>, transpose_lhs_hint = false} : vector<1000x128xf32>, vector<128x384xf32>, vector<1000x384xf32> -> vector<1000x384xf32>
    %get3A_16 = arith.constant 0 : index
    %get3A_17 = arith.constant 0 : index
    %get3A_18 = vector.load %arg5[%get3A_16, %get3A_17] : memref<1x384xf32, #tpu.memory_space<vmem>>, vector<1x384xf32>
    %add3A_19 = vector.broadcast %get3A_18 : vector<1x384xf32> to vector<1000x384xf32>
    %add3A_20 = arith.addf %dot_general3A_15, %add3A_19 : vector<1000x384xf32>
    %get3A_21 = arith.constant 0 : index
    %get3A_22 = arith.constant 0 : index
    %get3A_23 = vector.load %arg4[%get3A_21, %get3A_22] : memref<128x384xf32, #tpu.memory_space<vmem>>, vector<128x384xf32>
    %dot_general3A_24 = arith.constant dense<0.000000e+00> : vector<1000x384xf32>
    %dot_general3A_25 = tpu.matmul %get3A_11, %get3A_23, %dot_general3A_24 {dimension_numbers = #tpu.dot_dimension_numbers<[1], [0], [0], [1], [0, 0, 1, 1], [], []>, transpose_lhs_hint = false} : vector<1000x128xf32>, vector<128x384xf32>, vector<1000x384xf32> -> vector<1000x384xf32>
    %get3A_26 = arith.constant 0 : index
    %get3A_27 = arith.constant 0 : index
    %get3A_28 = vector.load %arg6[%get3A_26, %get3A_27] : memref<1x384xf32, #tpu.memory_space<vmem>>, vector<1x384xf32>
    %add3A_29 = vector.broadcast %get3A_28 : vector<1x384xf32> to vector<1000x384xf32>
    %add3A_30 = arith.addf %dot_general3A_25, %add3A_29 : vector<1000x384xf32>
    %slice3A = vector.extract_strided_slice %add3A_20 {offsets = [0, 0], sizes = [1000, 128], strides = [1, 1]} : vector<1000x384xf32> to vector<1000x128xf32>
    %slice3A_31 = vector.extract_strided_slice %add3A_30 {offsets = [0, 0], sizes = [1000, 128], strides = [1, 1]} : vector<1000x384xf32> to vector<1000x128xf32>
    %add3A_32 = arith.addf %slice3A, %slice3A_31 : vector<1000x128xf32>
    %logistic3A = arith.negf %add3A_32 : vector<1000x128xf32>
    %logistic3A_33 = math.exp %logistic3A : vector<1000x128xf32>
    %logistic3A_34 = arith.constant 1.000000e+00 : f32
    %logistic3A_35 = vector.broadcast %logistic3A_34 : f32 to vector<1000x128xf32>
    %logistic3A_36 = arith.addf %logistic3A_35, %logistic3A_33 : vector<1000x128xf32>
    %logistic3A_37 = arith.divf %logistic3A_35, %logistic3A_36 : vector<1000x128xf32>
    %slice3A_38 = vector.extract_strided_slice %add3A_20 {offsets = [0, 128], sizes = [1000, 128], strides = [1, 1]} : vector<1000x384xf32> to vector<1000x128xf32>
    %slice3A_39 = vector.extract_strided_slice %add3A_30 {offsets = [0, 128], sizes = [1000, 128], strides = [1, 1]} : vector<1000x384xf32> to vector<1000x128xf32>
    %add3A_40 = arith.addf %slice3A_38, %slice3A_39 : vector<1000x128xf32>
    %logistic3A_41 = arith.negf %add3A_40 : vector<1000x128xf32>
    %logistic3A_42 = math.exp %logistic3A_41 : vector<1000x128xf32>
    %logistic3A_43 = arith.constant 1.000000e+00 : f32
    %logistic3A_44 = vector.broadcast %logistic3A_43 : f32 to vector<1000x128xf32>
    %logistic3A_45 = arith.addf %logistic3A_44, %logistic3A_42 : vector<1000x128xf32>
    %logistic3A_46 = arith.divf %logistic3A_44, %logistic3A_45 : vector<1000x128xf32>
    %slice3A_47 = vector.extract_strided_slice %add3A_20 {offsets = [0, 256], sizes = [1000, 128], strides = [1, 1]} : vector<1000x384xf32> to vector<1000x128xf32>
    %slice3A_48 = vector.extract_strided_slice %add3A_30 {offsets = [0, 256], sizes = [1000, 128], strides = [1, 1]} : vector<1000x384xf32> to vector<1000x128xf32>
    %mul3A = arith.mulf %logistic3A_37, %slice3A_48 : vector<1000x128xf32>
    %add3A_49 = arith.addf %slice3A_47, %mul3A : vector<1000x128xf32>
    %tanh3A = math.tanh %add3A_49 : vector<1000x128xf32>
    %sub3A = arith.constant 1.000000e+00 : f32
    %sub3A_50 = vector.broadcast %sub3A : f32 to vector<1000x128xf32>
    %sub3A_51 = arith.subf %sub3A_50, %logistic3A_46 : vector<1000x128xf32>
    %mul3A_52 = arith.mulf %sub3A_51, %tanh3A : vector<1000x128xf32>
    %mul3A_53 = arith.mulf %logistic3A_46, %get3A_11 : vector<1000x128xf32>
    %add3A_54 = arith.addf %mul3A_52, %mul3A_53 : vector<1000x128xf32>
    %swap3A = arith.constant 0 : index
    %swap3A_55 = arith.constant 0 : index
    %swap3A_56 = vector.load %arg8[%swap3A, %swap3A_55] : memref<1000x128xf32, #tpu.memory_space<vmem>>, vector<1000x128xf32>
    tpu.vector_store %arg8[%swap3A, %swap3A_55], %add3A_54 {strides = array<i32>} : memref<1000x128xf32, #tpu.memory_space<vmem>>, vector<1000x128xf32>,
    %get3A_57 = arith.constant 0 : index
    %get3A_58 = arith.constant 0 : index
    %get3A_59 = vector.load %arg7[%get3A_57, %get3A_58] : memref<128x128xf32, #tpu.memory_space<vmem>>, vector<128x128xf32>
    %dot_general3A_60 = arith.constant dense<0.000000e+00> : vector<1000x128xf32>
    %dot_general3A_61 = tpu.matmul %add3A_54, %get3A_59, %dot_general3A_60 {dimension_numbers = #tpu.dot_dimension_numbers<[1], [0], [0], [1], [0, 0, 1, 1], [], []>, transpose_lhs_hint = false} : vector<1000x128xf32>, vector<128x128xf32>, vector<1000x128xf32> -> vector<1000x128xf32>
    %swap3A_62 = arith.constant 0 : index
    %swap3A_63 = arith.constant 0 : index
    %swap3A_64 = vector.load %arg9[%swap3A_62, %swap3A_63] : memref<1000x128xf32, #tpu.memory_space<vmem>>, vector<1000x128xf32>
    tpu.vector_store %arg9[%swap3A_62, %swap3A_63], %dot_general3A_61 {strides = array<i32>} : memref<1000x128xf32, #tpu.memory_space<vmem>>, vector<1000x128xf32>,
    return
  }
  func.func @transform_0(%arg0: i32) -> (i32, i32, i32) {
    %c0_i32 = arith.constant 0 : i32
    %c0_i32_0 = arith.constant 0 : i32
    %c0_i32_1 = arith.constant 0 : i32
    return %c0_i32, %arg0, %c0_i32_0 : i32, i32, i32
  }
  func.func @transform_1(%arg0: i32) -> (i32, i32) {
    %c0_i32 = arith.constant 0 : i32
    %c0_i32_0 = arith.constant 0 : i32
    return %arg0, %c0_i32 : i32, i32
  }
  func.func @transform_2(%arg0: i32) -> (i32, i32) {
    %c0_i32 = arith.constant 0 : i32
    %c0_i32_0 = arith.constant 0 : i32
    %c0_i32_1 = arith.constant 0 : i32
    return %c0_i32, %c0_i32_0 : i32, i32
  }
  func.func @transform_3(%arg0: i32) -> (i32, i32) {
    %c0_i32 = arith.constant 0 : i32
    %c0_i32_0 = arith.constant 0 : i32
    %c0_i32_1 = arith.constant 0 : i32
    return %c0_i32, %c0_i32_0 : i32, i32
  }
  func.func @transform_4(%arg0: i32) -> (i32, i32) {
    %c0_i32 = arith.constant 0 : i32
    %c0_i32_0 = arith.constant 0 : i32
    %c0_i32_1 = arith.constant 0 : i32
    return %c0_i32, %c0_i32_0 : i32, i32
  }
  func.func @transform_5(%arg0: i32) -> (i32, i32) {
    %c0_i32 = arith.constant 0 : i32
    %c0_i32_0 = arith.constant 0 : i32
    %c0_i32_1 = arith.constant 0 : i32
    return %c0_i32, %c0_i32_0 : i32, i32
  }
  func.func @transform_6(%arg0: i32) -> (i32, i32) {
    %c0_i32 = arith.constant 0 : i32
    %c0_i32_0 = arith.constant 0 : i32
    %c0_i32_1 = arith.constant 0 : i32
    return %c0_i32, %c0_i32_0 : i32, i32
  }
  func.func @transform_7(%arg0: i32) -> (i32, i32) {
    %c0_i32 = arith.constant 0 : i32
    %c0_i32_0 = arith.constant 0 : i32
    return %arg0, %c0_i32 : i32, i32
  }
  func.func @transform_8(%arg0: i32) -> (i32, i32) {
    %c0_i32 = arith.constant 0 : i32
    %c0_i32_0 = arith.constant 0 : i32
    return %arg0, %c0_i32 : i32, i32
  }
}

module attributes {stable_mosaic.version = 14 : i64} {
  func.func @body(%arg0: i32, %arg1: memref<2x1000x128xf32, #tpu.memory_space<vmem>>, %arg2: memref<1000x128xf32, #tpu.memory_space<vmem>>, %arg3: memref<128x384xf32, #tpu.memory_space<vmem>>, %arg4: memref<128x384xf32, #tpu.memory_space<vmem>>, %arg5: memref<1x384xf32, #tpu.memory_space<vmem>>, %arg6: memref<1x384xf32, #tpu.memory_space<vmem>>, %arg7: memref<1x1x1000xi32, #tpu.memory_space<vmem>>, %arg8: memref<64x128xf32, #tpu.memory_space<vmem>>, %arg9: memref<64x128xf32, #tpu.memory_space<vmem>>, %arg10: memref<64x128xf32, #tpu.memory_space<vmem>>) attributes {dimension_semantics = [#tpu.dimension_semantics<arbitrary>], iteration_bounds = array<i64: 10>, scalar_prefetch = 0 : i64, scratch_operands = 2 : i64, tpu.core_type = #tpu.core_type<tc>, window_params = [{transform_indices = @transform_0, window_bounds = array<i64: 2, 1000, 128>}, {transform_indices = @transform_1, window_bounds = array<i64: 1000, 128>}, {pipeline_mode = #tpu.pipeline_mode<synchronous>, transform_indices = @transform_2, window_bounds = array<i64: 128, 384>}, {pipeline_mode = #tpu.pipeline_mode<synchronous>, transform_indices = @transform_3, window_bounds = array<i64: 128, 384>}, {pipeline_mode = #tpu.pipeline_mode<synchronous>, transform_indices = @transform_4, window_bounds = array<i64: 1, 384>}, {pipeline_mode = #tpu.pipeline_mode<synchronous>, transform_indices = @transform_5, window_bounds = array<i64: 1, 384>}, {transform_indices = @transform_6, window_bounds = array<i64: 1, 1, 1000>}, {pipeline_mode = #tpu.pipeline_mode<synchronous>, transform_indices = @transform_7, window_bounds = array<i64: 64, 128>}]} {
    %eq3A = arith.constant 0 : i32
    %eq3A_0 = arith.cmpi eq, %arg0, %eq3A : i32
    %convert_element_type3A = arith.extui %eq3A_0 : i1 to i32
    %cond3A = arith.constant 0 : i32
    %cond3A_1 = arith.cmpi ne, %convert_element_type3A, %cond3A : i32
    scf.if %cond3A_1 {
      %broadcast_in_dim3A_90 = arith.constant 0.000000e+00 : f32
      %broadcast_in_dim3A_91 = vector.broadcast %broadcast_in_dim3A_90 : f32 to vector<64x128xf32>
      %swap3A_92 = arith.constant 0 : index
      %swap3A_93 = arith.constant 0 : index
      %swap3A_94 = vector.load %arg9[%swap3A_92, %swap3A_93] : memref<64x128xf32, #tpu.memory_space<vmem>>, vector<64x128xf32>
      tpu.vector_store %arg9[%swap3A_92, %swap3A_93], %broadcast_in_dim3A_91 {strides = array<i32>} : memref<64x128xf32, #tpu.memory_space<vmem>>, vector<64x128xf32>,
      %broadcast_in_dim3A_95 = arith.constant 0.000000e+00 : f32
      %broadcast_in_dim3A_96 = vector.broadcast %broadcast_in_dim3A_95 : f32 to vector<64x128xf32>
      %swap3A_97 = arith.constant 0 : index
      %swap3A_98 = arith.constant 0 : index
      %swap3A_99 = vector.load %arg10[%swap3A_97, %swap3A_98] : memref<64x128xf32, #tpu.memory_space<vmem>>, vector<64x128xf32>
      tpu.vector_store %arg10[%swap3A_97, %swap3A_98], %broadcast_in_dim3A_96 {strides = array<i32>} : memref<64x128xf32, #tpu.memory_space<vmem>>, vector<64x128xf32>,
    } else {
    }
    %get3A = arith.constant 0 : index
    %get3A_2 = arith.constant 0 : index
    %get3A_3 = arith.constant 0 : index
    %get3A_4 = vector.load %arg1[%get3A, %get3A_2, %get3A_3] : memref<2x1000x128xf32, #tpu.memory_space<vmem>>, vector<1x1000x128xf32>
    %get3A_5 = vector.shape_cast %get3A_4 : vector<1x1000x128xf32> to vector<1000x128xf32>
    %get3A_6 = arith.constant 1 : index
    %get3A_7 = arith.constant 0 : index
    %get3A_8 = arith.constant 0 : index
    %get3A_9 = vector.load %arg1[%get3A_6, %get3A_7, %get3A_8] : memref<2x1000x128xf32, #tpu.memory_space<vmem>>, vector<1x1000x128xf32>
    %get3A_10 = vector.shape_cast %get3A_9 : vector<1x1000x128xf32> to vector<1000x128xf32>
    %add3A = arith.addf %get3A_5, %get3A_10 : vector<1000x128xf32>
    %get3A_11 = arith.constant 0 : index
    %get3A_12 = arith.constant 0 : index
    %get3A_13 = vector.load %arg2[%get3A_11, %get3A_12] : memref<1000x128xf32, #tpu.memory_space<vmem>>, vector<1000x128xf32>
    %get3A_14 = arith.constant 0 : index
    %get3A_15 = arith.constant 0 : index
    %get3A_16 = vector.load %arg3[%get3A_14, %get3A_15] : memref<128x384xf32, #tpu.memory_space<vmem>>, vector<128x384xf32>
    %dot_general3A = arith.constant dense<0.000000e+00> : vector<1000x384xf32>
    %dot_general3A_17 = tpu.matmul %add3A, %get3A_16, %dot_general3A {dimension_numbers = #tpu.dot_dimension_numbers<[1], [0], [0], [1], [0, 0, 1, 1], [], []>, transpose_lhs_hint = false} : vector<1000x128xf32>, vector<128x384xf32>, vector<1000x384xf32> -> vector<1000x384xf32>
    %get3A_18 = arith.constant 0 : index
    %get3A_19 = arith.constant 0 : index
    %get3A_20 = vector.load %arg5[%get3A_18, %get3A_19] : memref<1x384xf32, #tpu.memory_space<vmem>>, vector<1x384xf32>
    %add3A_21 = vector.broadcast %get3A_20 : vector<1x384xf32> to vector<1000x384xf32>
    %add3A_22 = arith.addf %dot_general3A_17, %add3A_21 : vector<1000x384xf32>
    %get3A_23 = arith.constant 0 : index
    %get3A_24 = arith.constant 0 : index
    %get3A_25 = vector.load %arg4[%get3A_23, %get3A_24] : memref<128x384xf32, #tpu.memory_space<vmem>>, vector<128x384xf32>
    %dot_general3A_26 = arith.constant dense<0.000000e+00> : vector<1000x384xf32>
    %dot_general3A_27 = tpu.matmul %get3A_13, %get3A_25, %dot_general3A_26 {dimension_numbers = #tpu.dot_dimension_numbers<[1], [0], [0], [1], [0, 0, 1, 1], [], []>, transpose_lhs_hint = false} : vector<1000x128xf32>, vector<128x384xf32>, vector<1000x384xf32> -> vector<1000x384xf32>
    %get3A_28 = arith.constant 0 : index
    %get3A_29 = arith.constant 0 : index
    %get3A_30 = vector.load %arg6[%get3A_28, %get3A_29] : memref<1x384xf32, #tpu.memory_space<vmem>>, vector<1x384xf32>
    %add3A_31 = vector.broadcast %get3A_30 : vector<1x384xf32> to vector<1000x384xf32>
    %add3A_32 = arith.addf %dot_general3A_27, %add3A_31 : vector<1000x384xf32>
    %slice3A = vector.extract_strided_slice %add3A_22 {offsets = [0, 0], sizes = [1000, 128], strides = [1, 1]} : vector<1000x384xf32> to vector<1000x128xf32>
    %slice3A_33 = vector.extract_strided_slice %add3A_32 {offsets = [0, 0], sizes = [1000, 128], strides = [1, 1]} : vector<1000x384xf32> to vector<1000x128xf32>
    %add3A_34 = arith.addf %slice3A, %slice3A_33 : vector<1000x128xf32>
    %logistic3A = arith.negf %add3A_34 : vector<1000x128xf32>
    %logistic3A_35 = math.exp %logistic3A : vector<1000x128xf32>
    %logistic3A_36 = arith.constant 1.000000e+00 : f32
    %logistic3A_37 = vector.broadcast %logistic3A_36 : f32 to vector<1000x128xf32>
    %logistic3A_38 = arith.addf %logistic3A_37, %logistic3A_35 : vector<1000x128xf32>
    %logistic3A_39 = arith.divf %logistic3A_37, %logistic3A_38 : vector<1000x128xf32>
    %slice3A_40 = vector.extract_strided_slice %add3A_22 {offsets = [0, 128], sizes = [1000, 128], strides = [1, 1]} : vector<1000x384xf32> to vector<1000x128xf32>
    %slice3A_41 = vector.extract_strided_slice %add3A_32 {offsets = [0, 128], sizes = [1000, 128], strides = [1, 1]} : vector<1000x384xf32> to vector<1000x128xf32>
    %add3A_42 = arith.addf %slice3A_40, %slice3A_41 : vector<1000x128xf32>
    %logistic3A_43 = arith.negf %add3A_42 : vector<1000x128xf32>
    %logistic3A_44 = math.exp %logistic3A_43 : vector<1000x128xf32>
    %logistic3A_45 = arith.constant 1.000000e+00 : f32
    %logistic3A_46 = vector.broadcast %logistic3A_45 : f32 to vector<1000x128xf32>
    %logistic3A_47 = arith.addf %logistic3A_46, %logistic3A_44 : vector<1000x128xf32>
    %logistic3A_48 = arith.divf %logistic3A_46, %logistic3A_47 : vector<1000x128xf32>
    %slice3A_49 = vector.extract_strided_slice %add3A_22 {offsets = [0, 256], sizes = [1000, 128], strides = [1, 1]} : vector<1000x384xf32> to vector<1000x128xf32>
    %slice3A_50 = vector.extract_strided_slice %add3A_32 {offsets = [0, 256], sizes = [1000, 128], strides = [1, 1]} : vector<1000x384xf32> to vector<1000x128xf32>
    %mul3A = arith.mulf %logistic3A_39, %slice3A_50 : vector<1000x128xf32>
    %add3A_51 = arith.addf %slice3A_49, %mul3A : vector<1000x128xf32>
    %tanh3A = math.tanh %add3A_51 : vector<1000x128xf32>
    %sub3A = arith.constant 1.000000e+00 : f32
    %sub3A_52 = vector.broadcast %sub3A : f32 to vector<1000x128xf32>
    %sub3A_53 = arith.subf %sub3A_52, %logistic3A_48 : vector<1000x128xf32>
    %mul3A_54 = arith.mulf %sub3A_53, %tanh3A : vector<1000x128xf32>
    %mul3A_55 = arith.mulf %logistic3A_48, %get3A_13 : vector<1000x128xf32>
    %add3A_56 = arith.addf %mul3A_54, %mul3A_55 : vector<1000x128xf32>
    %max3A = arith.constant 0.000000e+00 : f32
    %max3A_57 = vector.broadcast %max3A : f32 to vector<1000x128xf32>
    %max3A_58 = arith.maximumf %add3A_56, %max3A_57 : vector<1000x128xf32>
    %get3A_59 = arith.constant 0 : index
    %get3A_60 = arith.constant 0 : index
    %get3A_61 = arith.constant 0 : index
    %get3A_62 = vector.load %arg7[%get3A_59, %get3A_60, %get3A_61] : memref<1x1x1000xi32, #tpu.memory_space<vmem>>, vector<1x1x1000xi32>
    %reshape3A = vector.shape_cast %get3A_62 : vector<1x1x1000xi32> to vector<1x1000xi32>
    %iota3A = tpu.iota {dimensions = array<i32: 0>} : vector<64x1000xi32>
    %eq3A_63 = vector.broadcast %reshape3A : vector<1x1000xi32> to vector<64x1000xi32>
    %eq3A_64 = arith.cmpi eq, %iota3A, %eq3A_63 : vector<64x1000xi32>
    %convert_element_type3A_65 = arith.extui %eq3A_64 : vector<64x1000xi1> to vector<64x1000xi32>
    %convert_element_type3A_66 = arith.sitofp %convert_element_type3A_65 : vector<64x1000xi32> to vector<64x1000xf32>
    %get3A_67 = arith.constant 0 : index
    %get3A_68 = arith.constant 0 : index
    %get3A_69 = vector.load %arg9[%get3A_67, %get3A_68] : memref<64x128xf32, #tpu.memory_space<vmem>>, vector<64x128xf32>
    %dot_general3A_70 = arith.constant dense<0.000000e+00> : vector<64x128xf32>
    %dot_general3A_71 = tpu.matmul %convert_element_type3A_66, %max3A_58, %dot_general3A_70 {dimension_numbers = #tpu.dot_dimension_numbers<[1], [0], [0], [1], [0, 0, 1, 1], [], []>, transpose_lhs_hint = false} : vector<64x1000xf32>, vector<1000x128xf32>, vector<64x128xf32> -> vector<64x128xf32>
    %add3A_72 = arith.addf %get3A_69, %dot_general3A_71 : vector<64x128xf32>
    %swap3A = arith.constant 0 : index
    %swap3A_73 = arith.constant 0 : index
    %swap3A_74 = vector.load %arg9[%swap3A, %swap3A_73] : memref<64x128xf32, #tpu.memory_space<vmem>>, vector<64x128xf32>
    tpu.vector_store %arg9[%swap3A, %swap3A_73], %add3A_72 {strides = array<i32>} : memref<64x128xf32, #tpu.memory_space<vmem>>, vector<64x128xf32>,
    %get3A_75 = arith.constant 0 : index
    %get3A_76 = arith.constant 0 : index
    %get3A_77 = vector.load %arg10[%get3A_75, %get3A_76] : memref<64x128xf32, #tpu.memory_space<vmem>>, vector<64x128xf32>
    %broadcast_in_dim3A = arith.constant 1.000000e+00 : f32
    %broadcast_in_dim3A_78 = vector.broadcast %broadcast_in_dim3A : f32 to vector<1000x128xf32>
    %dot_general3A_79 = arith.constant dense<0.000000e+00> : vector<64x128xf32>
    %dot_general3A_80 = tpu.matmul %convert_element_type3A_66, %broadcast_in_dim3A_78, %dot_general3A_79 {dimension_numbers = #tpu.dot_dimension_numbers<[1], [0], [0], [1], [0, 0, 1, 1], [], []>, transpose_lhs_hint = false} : vector<64x1000xf32>, vector<1000x128xf32>, vector<64x128xf32> -> vector<64x128xf32>
    %add3A_81 = arith.addf %get3A_77, %dot_general3A_80 : vector<64x128xf32>
    %swap3A_82 = arith.constant 0 : index
    %swap3A_83 = arith.constant 0 : index
    %swap3A_84 = vector.load %arg10[%swap3A_82, %swap3A_83] : memref<64x128xf32, #tpu.memory_space<vmem>>, vector<64x128xf32>
    tpu.vector_store %arg10[%swap3A_82, %swap3A_83], %add3A_81 {strides = array<i32>} : memref<64x128xf32, #tpu.memory_space<vmem>>, vector<64x128xf32>,
    %eq3A_85 = arith.constant 9 : i32
    %eq3A_86 = arith.cmpi eq, %arg0, %eq3A_85 : i32
    %convert_element_type3A_87 = arith.extui %eq3A_86 : i1 to i32
    %cond3A_88 = arith.constant 0 : i32
    %cond3A_89 = arith.cmpi ne, %convert_element_type3A_87, %cond3A_88 : i32
    scf.if %cond3A_89 {
      %get3A_90 = arith.constant 0 : index
      %get3A_91 = arith.constant 0 : index
      %get3A_92 = vector.load %arg9[%get3A_90, %get3A_91] : memref<64x128xf32, #tpu.memory_space<vmem>>, vector<64x128xf32>
      %get3A_93 = arith.constant 0 : index
      %get3A_94 = arith.constant 0 : index
      %get3A_95 = vector.load %arg10[%get3A_93, %get3A_94] : memref<64x128xf32, #tpu.memory_space<vmem>>, vector<64x128xf32>
      %max3A_96 = arith.constant 1.000000e+00 : f32
      %max3A_97 = vector.broadcast %max3A_96 : f32 to vector<64x128xf32>
      %max3A_98 = arith.maximumf %get3A_95, %max3A_97 : vector<64x128xf32>
      %div3A = arith.divf %get3A_92, %max3A_98 : vector<64x128xf32>
      %swap3A_99 = arith.constant 0 : index
      %swap3A_100 = arith.constant 0 : index
      %swap3A_101 = vector.load %arg8[%swap3A_99, %swap3A_100] : memref<64x128xf32, #tpu.memory_space<vmem>>, vector<64x128xf32>
      tpu.vector_store %arg8[%swap3A_99, %swap3A_100], %div3A {strides = array<i32>} : memref<64x128xf32, #tpu.memory_space<vmem>>, vector<64x128xf32>,
    } else {
    }
    return
  }
  func.func @transform_0(%arg0: i32) -> (i32, i32, i32) {
    %c0_i32 = arith.constant 0 : i32
    %c0_i32_0 = arith.constant 0 : i32
    %c0_i32_1 = arith.constant 0 : i32
    return %c0_i32, %arg0, %c0_i32_0 : i32, i32, i32
  }
  func.func @transform_1(%arg0: i32) -> (i32, i32) {
    %c0_i32 = arith.constant 0 : i32
    %c0_i32_0 = arith.constant 0 : i32
    return %arg0, %c0_i32 : i32, i32
  }
  func.func @transform_2(%arg0: i32) -> (i32, i32) {
    %c0_i32 = arith.constant 0 : i32
    %c0_i32_0 = arith.constant 0 : i32
    %c0_i32_1 = arith.constant 0 : i32
    return %c0_i32, %c0_i32_0 : i32, i32
  }
  func.func @transform_3(%arg0: i32) -> (i32, i32) {
    %c0_i32 = arith.constant 0 : i32
    %c0_i32_0 = arith.constant 0 : i32
    %c0_i32_1 = arith.constant 0 : i32
    return %c0_i32, %c0_i32_0 : i32, i32
  }
  func.func @transform_4(%arg0: i32) -> (i32, i32) {
    %c0_i32 = arith.constant 0 : i32
    %c0_i32_0 = arith.constant 0 : i32
    %c0_i32_1 = arith.constant 0 : i32
    return %c0_i32, %c0_i32_0 : i32, i32
  }
  func.func @transform_5(%arg0: i32) -> (i32, i32) {
    %c0_i32 = arith.constant 0 : i32
    %c0_i32_0 = arith.constant 0 : i32
    %c0_i32_1 = arith.constant 0 : i32
    return %c0_i32, %c0_i32_0 : i32, i32
  }
  func.func @transform_6(%arg0: i32) -> (i32, i32, i32) {
    %c0_i32 = arith.constant 0 : i32
    %c0_i32_0 = arith.constant 0 : i32
    %c0_i32_1 = arith.constant 0 : i32
    return %arg0, %c0_i32, %c0_i32_0 : i32, i32, i32
  }
  func.func @transform_7(%arg0: i32) -> (i32, i32) {
    %c0_i32 = arith.constant 0 : i32
    %c0_i32_0 = arith.constant 0 : i32
    %c0_i32_1 = arith.constant 0 : i32
    return %c0_i32, %c0_i32_0 : i32, i32
  }
}

</mosaic_0001>

<sc_bundles>
// kernel: kernel.10.cloned.1.call-start
scs
__scs_entry_jumppad:
0x0: {  	(pc) =	sbr.rel $0x88, $3  }
0x1: {  	(tag) =	ssettag $0x0;
	lr =	simm.s32 $0x1  }
0x2: {  	[smem:$0x3F99] =	sst lr;
	_ =	strace $0xD0000000  }
0x3: {  	_ = 	snop  }
0x4: {  	_ = 	snop  }
0x5: {  	_ = 	snop  }
0x6: {  	_ = 	snop  }
0x7: {  	_ = 	snop  }
__scs_overlays_trampoline_lowered:
0x8: {  	[smem:$0x3FA8] =	sst s0  }
0x9: {  	[smem:$0x3FA9] =	sst s1  }
0xa: {  	[smem:$0x3FAA] =	sst s2  }
0xb: {  	[smem:$0x3FAB] =	sst s3  }
0xc: {  	[smem:$0x3FAC] =	sst s4  }
0xd: {  	[smem:$0x3FAD] =	sst s5  }
0xe: {  	[smem:$0x3FAE] =	sst s6  }
0xf: {  	[smem:$0x3FAF] =	sst s7  }
0x10: {  	[smem:$0x3FB0] =	sst s8  }
0x11: {  	[smem:$0x3FB1] =	sst s9;
	s0 =	simm.s32 @!p0 $0x0  }
0x12: {  	s1 =	sld [smem:$0x3F97];
	s0 =	simm.s32 @p0 $0x1  }
0x13: {  	[smem:$0x3FB2] =	sst s0;
	s0 =	simm.s32 @!p1 $0x0  }
0x14: {  	s2 =	sld [smem:$0x3F96];
	s0 =	simm.s32 @p1 $0x1  }
0x15: {  	[smem:$0x3FB3] =	sst s0;
	s0 =	simm.s32 @!p2 $0x0  }
0x16: {  	s3 =	sld [smem:$0x3FDB];
	s0 =	simm.s32 @p2 $0x1  }
0x17: {  	s4 =	simm.s32 $0x1BF5;
	[smem:$0x3FB5] =	sst s0  }
0x18: {  	s0 =	sld [smem:$0x3F98];
	_ =	swait.ge [sflag:s4], $0x0  }
0x19: {  	s7 =	sld [smem:$0x3F99]  }
0x1a: {  	s8 =	sadd.s32 $0xFFFFE003, lr  }
0x1b: {  	s9 =	sadd.s32 $0xFFFFFEF7, lr;
	s5 =	simm.s32 $0xFFFFFFFF;
	p2 =	slt.u32 s8, $0xFFFFF086  }
0x1c: {  	p1 =	slt.u32 s9, $0xF7A;
	s5 =	simm.s32 @!p2 $0x0  }
0x1d: {  	s5 =	simm.s32 @p1 $0x1;
	p0 =	seq.s32 s7, s2  }
0x1e: {  	s7 =	smul.u32 @!p0 $0xF7A, s2;
	p2 =	seq.s32 @!p0 s5, $0x0  }
0x1f: {  	s9 =	smul.u32 $0xF7A, s1;
	s8 =	simm.s32 @!p0 $0x1BF5;
	p2 =	por !p2, p0  }
0x20: {  	[sflag:s8] =	ssyncset.s32 @!p0 $0xFFFFF086;
	s6 =	sadd.s32 @!p0 s3, s7;
	s7 =	simm.s32 @!p0 $0x108  }
0x21: {  	s3 =	sadd.s32 s3, s9;
	s6 =	sadd.s32 @!p0 $0x88, s6;
	s7 =	simm.s32 @p2 $0x1082  }
0x22: {  	[simem:s7], [sflag:s8] =	dma.local @!p0 [hbm:s6], $0xF7A  }
0x23: {  	s9 =	sor.u32 $0xD0000000, s2;
	s6 =	simm.s32 $0x108;
	_ =	swait.ge @!p0 [sflag:s8], $0x0  }
0x24: {  	s3 =	sadd.s32 $0x88, s3;
	s6 =	simm.s32 @!p1 $0x1082;
	[sflag:s4] =	ssyncset.s32 $0xFFFFF086  }
0x25: {  	[simem:s6], [sflag:s4] =	dma.local [hbm:s3], $0xF7A  }
0x26: {  	[smem:$0x3F99] =	sst s1;
	(tag) =	ssettag s2;
	_ =	strace s9  }
0x27: {  	s1 =	sld [smem:$0x3FA9]  }
0x28: {  	s2 =	sld [smem:$0x3FAA]  }
0x29: {  	s4 =	sld [smem:$0x3FAC]  }
0x2a: {  	p0 =	seq.s32 s5, $0x0;
	s5 =	sld [smem:$0x3FAD]  }
0x2b: {  	s6 =	sld [smem:$0x3FAE]  }
0x2c: {  	s7 =	sld [smem:$0x3FAF]  }
0x2d: {  	s3 =	simm.s32 $0x108;
	s8 =	sld [smem:$0x3FB0]  }
0x2e: {  	s3 =	simm.s32 @!p0 $0x1082;
	s9 =	sld [smem:$0x3FB1]  }
0x2f: {  	lr =	sadd.s32 s0, s3;
	s0 =	sld [smem:$0x3FA8]  }
0x30: {  	s3 =	sld [smem:$0x3FAB]  }
0x31: {  	[smem:$0x3FB4] =	sst s10  }
0x32: {  	s10 =	sld [smem:$0x3FB2];
	_ =	sdelay $0x3  }
0x33: {  	p0 =	seq.s32 s10, $0x1;
	s10 =	sld [smem:$0x3FB4];
	_ =	sdelay $0x3  }
0x34: {  	[smem:$0x3FB4] =	sst s10  }
0x35: {  	s10 =	sld [smem:$0x3FB3];
	_ =	sdelay $0x3  }
0x36: {  	p1 =	seq.s32 s10, $0x1;
	s10 =	sld [smem:$0x3FB4];
	_ =	sdelay $0x3  }
0x37: {  	[smem:$0x3FB4] =	sst s10  }
0x38: {  	s10 =	sld [smem:$0x3FB5]  }
0x39: {  	_ = 	snop;
	(pc) =	sbr.ind lr, $3  }
0x3a: {  	_ = 	snop  }
0x3b: {  	_ = 	snop  }
0x3c: {  	p2 =	seq.s32 s10, $0x1;
	s10 =	sld [smem:$0x3FB4]  }
0x3d: {  	_ =	shalt  }
0x3e: {  	_ =	shalt  }
0x3f: {  	_ =	shalt  }
0x40: {  	_ =	shalt  }
0x41: {  	_ =	shalt  }
0x42: {  	_ =	shalt  }
0x43: {  	_ =	shalt  }
0x44: {  	_ =	shalt  }
0x45: {  	_ =	shalt  }
0x46: {  	_ =	shalt  }
0x47: {  	_ =	shalt  }
0x48: {  	_ =	shalt  }
0x49: {  	_ =	shalt  }
0x4a: {  	_ =	shalt  }
0x4b: {  	_ =	shalt  }
0x4c: {  	_ =	shalt  }
0x4d: {  	_ =	shalt  }
0x4e: {  	_ =	shalt  }
0x4f: {  	_ =	shalt  }
0x50: {  	_ =	shalt  }
0x51: {  	_ =	shalt  }
0x52: {  	_ =	shalt  }
0x53: {  	_ =	shalt  }
0x54: {  	_ =	shalt  }
0x55: {  	_ =	shalt  }
0x56: {  	_ =	shalt  }
0x57: {  	_ =	shalt  }
0x58: {  	_ =	shalt  }
0x59: {  	_ =	shalt  }
0x5a: {  	_ =	shalt  }
0x5b: {  	_ =	shalt  }
0x5c: {  	_ =	shalt  }
0x5d: {  	_ =	shalt  }
0x5e: {  	_ =	shalt  }
0x5f: {  	_ =	shalt  }
0x60: {  	_ =	shalt  }
0x61: {  	_ =	shalt  }
0x62: {  	_ =	shalt  }
0x63: {  	_ =	shalt  }
0x64: {  	_ =	shalt  }
0x65: {  	_ =	shalt  }
0x66: {  	_ =	shalt  }
0x67: {  	_ =	shalt  }
0x68: {  	_ =	shalt  }
0x69: {  	_ =	shalt  }
0x6a: {  	_ =	shalt  }
0x6b: {  	_ =	shalt  }
0x6c: {  	_ =	shalt  }
0x6d: {  	_ =	shalt  }
0x6e: {  	_ =	shalt  }
0x6f: {  	_ =	shalt  }
0x70: {  	_ =	shalt  }
0x71: {  	_ =	shalt  }
0x72: {  	_ =	shalt  }
0x73: {  	_ =	shalt  }
0x74: {  	_ =	shalt  }
0x75: {  	_ =	shalt  }
0x76: {  	_ =	shalt  }
0x77: {  	_ =	shalt  }
0x78: {  	_ =	shalt  }
0x79: {  	_ =	shalt  }
0x7a: {  	_ =	shalt  }
0x7b: {  	_ =	shalt  }
0x7c: {  	_ =	shalt  }
0x7d: {  	_ =	shalt  }
0x7e: {  	_ =	shalt  }
0x7f: {  	_ =	shalt  }
0x80: {  	_ =	shalt  }
0x81: {  	_ =	shalt  }
0x82: {  	_ =	shalt  }
0x83: {  	_ =	shalt  }
0x84: {  	_ =	shalt  }
0x85: {  	_ =	shalt  }
0x86: {  	_ =	shalt  }
0x87: {  	_ =	shalt  }
.Lfunc_end0:
.L_simem_size_0:
called_computation.1_lowered:
.L_overlay_start_0:
0x88: {  	s2 =	sld [smem:$0x3FD9]  }
0x89: {  	s3 =	sld [smem:$0x3FFE];
	_ =	sdelay $0x1  }
0x8a: {  	s1 =	srdreg.scid  }
0x8b: {  	s0 =	sand.u32 $0x1, s1  }
0x8c: {  	s16 =	sshll.u32 s0, $0xA;
	s2 =	sadd.s32 s3, s2  }
0x8d: {  	s2 =	sadd.s32 s2, s16  }
0x8e: {  	[smem:$0x3FC0] =	sst s2  }
0x8f: {  	_ = 	snop  }
0x90: {  	(tm) =	ssettm $0x1  }
0x91: {  	s17 =	sld [smem:$0x3FFB];
	_ =	sdelay $0x3  }
0x92: {  	_ =	strace s17  }
0x93: {  	s2 =	sld [smem:$0x3FFC];
	_ =	sdelay $0x3  }
0x94: {  	_ =	strace s2  }
0x95: {  	s2 =	sld [smem:$0x3FFD];
	_ =	sdelay $0x3  }
0x96: {  	_ =	strace s2  }
0x97: {  	_ =	strace $0x8FFFFFFF  }
0x98: {  	s18 =	sld [smem:$0x3FDB];
	_ =	sdelay $0x1  }
0x99: {  	s19 =	simm.s32 $_scs_section_size  }
0x9a: {  	s4 =	simm.s32 $_size__tile_overlayer_lowered;
	s5 =	simm.s32 $_tile_overlayer_lowered  }
0x9b: {  	s22 =	simm.s32 $0x1BFF;
	s21 =	sshll.u32 s5, $0x1;
	s2 =	sadd.s32 s19, s18  }
0x9c: {  	s6 =	simm.s32 $0x0;
	s20 =	sshll.u32 s4, $0x1;
	s4 =	sadd.s32 s21, s2  }
0x9d: {  	[timem:s6], [sflag:s22] =	dma.local [hbm:s4], s20  }
0x9e: {  	_ =	swait.ge [sflag:s22], s20  }
0x9f: {  	s3 =	ssub.s32 $0x0, s20;
	[sflag:s22] =	ssyncset.done $0x0  }
0xa0: {  	[sflag:s22] =	ssyncadd.s32 s3;
	_ =	sdelay $0x1  }
0xa1: {  	s23 =	simm.s32 $0x1B8B  }
0xa2: {  	_ =	swait.ge [sflag:s23], $0x1  }
0xa3: {  	[sflag:s23] =	ssyncset.done $0x0  }
0xa4: {  	s25 =	simm.s32 $0x1B8E;
	s24 =	sld [smem:$0x3FFE];
	[sflag:s23] =	ssyncadd.s32 $0xFFFFFFFF  }
0xa5: {  	s26 =	simm.s32 $execute0_lowered;
	[smem:$0x3FD2] =	sst s25  }
0xa6: {  	s4 =	sshll.u32 s26, $0x1;
	_ =	strace $0x80000049;
	[dreg:$0x1] =	wrdreg $0xFFFFFFFF  }
0xa7: {  	s28 =	simm.s32 $_size_execute0_lowered;
	s2 =	sadd.s32 s2, s4;
	[dreg:$0x0] =	wrdreg $0x0  }
0xa8: {  	s4 =	sshll.u32 s28, $0x1;
	[dreg:$0x2] =	wrdreg s2  }
0xa9: {  	[dreg:$0x3] =	wrdreg s4  }
0xaa: {  	[dreg:$0x4] =	wrdreg $0xC0  }
0xab: {  	_ =	task [dreg:s6], $0x5FFFF  }
0xac: {  	[dreg:$0x1] =	wrdreg $0xFFFFFFFF  }
0xad: {  	[dreg:$0x0] =	wrdreg $0x60  }
0xae: {  	[dreg:$0x2] =	wrdreg s24  }
0xaf: {  	[dreg:$0x3] =	wrdreg $0xB8000  }
0xb0: {  	[dreg:$0x4] =	wrdreg $0x9  }
0xb1: {  	_ =	task.clear_ibuf [dreg:s6], $0x5FFFF;
	_ =	strace $0x90000049  }
0xb2: {  	s29 =	simm.s32 $0x9;
	_ =	strace $0x8000004B  }
0xb3: {  	_ =	swait.ge [sflag:s29], $0x1  }
0xb4: {  	[sflag:s29] =	ssyncadd.s32 $0xFFFFFFFF  }
0xb5: {  	_ =	strace $0x9000004B  }
0xb6: {  	_ =	sfence  }
0xb7: {  	s30 =	sld [smem:$0x0];
	_ =	sdelay $0x2  }
0xb8: {  	s31 =	sshll.u32 s1, $0xD;
	s1 =	sshrl.u32 s1, $0x2  }
0xb9: {  	s3 =	sand.u32 $0x4000, s31;
	s1 =	sadd.s32 s1, s30  }
0xba: {  	s0 =	sor.u32 s3, s0;
	s1 =	sshll.u32 s1, $0x11  }
0xbb: {  	s0 =	sor.u32 s1, s0  }
0xbc: {  	s0 =	sadd.s32 $0x8F2B, s0  }
0xbd: {  	[sflag:s0] =	ssyncadd.remote.s32 $0x1  }
0xbe: {  	_ =	sfence.sel $0xFFFF  }
0xbf: {  	[dreg:$0x0] =	wrdreg $0xFFFFFFFF;
	(pc) =	sbr.abs _section_cstart, $3  }
0xc0: {  	[dreg:$0x1] =	wrdreg $0xFFFFFFFF  }
0xc1: {  	_ =	task.clear_ibuf [dreg:s6], $0x2FFFF;
	_ =	strace $0x9FFFFFFF  }
0xc2: {  	(tm) =	ssettm $0x7FFFFFFF  }
0xc3: {  	_ =	shalt  }
tec
execute0_lowered:
.L_overlay_start_1:
0x0: {  	(tag) =	ssettag $0x1  }
0x1: {  	s0 =	srdreg.scid  }
0x2: {  	s7 =	stileid.u32;
	s3 =	rddreg [dreg:$0x0]  }
0x3: {  	s2 =	rddreg [dreg:$0x1];
	s0 =	sand.u32 $0x1, s0;
	s14 =	smul.u32 $0x50000, s7  }
0x4: {  	s1 =	sshll.u32 s0, $0x4;
	s5 =	smul.u32 $0x140000, s0;
	s0 =	ssub.s32 $0x2, s0  }
0x5: {  	s4 =	simm.s32 $0x0;
	s6 =	smul.u32 $0x14000, s7;
	s15 =	sshrl.u32 s0, $0x1  }
0x6: {  	[smem:$0x7FF] =	sst s4;
	s16 =	sshrl.u32 s14, $0x2;
	s0 =	ssub.s32 s0, s15  }
0x7: {  	s5 =	sadd.s32 s6, s5;
	s6 =	sadd.s32 s16, s2;
	s0 =	smax.u32 s0, $0x1  }
0x8: {  	_ =	strace $0x8000004A;
	s19 =	sadd.s32 $0x1000, s6;
	[dreg:$0x6] =	wrdreg s0  }
0x9: {  	s30 =	simm.s32 $0x3;
	s20 =	sadd.s32 $0x2000, s6;
	[dreg:$0x7] =	wrdreg s19  }
0xa: {  	s31 =	simm.s32 $0x80;
	s21 =	sadd.s32 $0x3000, s6;
	[dreg:$0x8] =	wrdreg s20  }
0xb: {  	s4 =	sadd.s32 $0x16000, s3;
	s22 =	sadd.s32 $0x4000, s6;
	[dreg:$0x9] =	wrdreg s21  }
0xc: {  	s1 =	sor.u32 s7, s1;
	s23 =	sadd.s32 $0x5000, s6;
	[dreg:$0xa] =	wrdreg s22  }
0xd: {  	s1 =	smul.u32 $0x5000, s1;
	s24 =	sadd.s32 $0x6000, s6;
	[dreg:$0xb] =	wrdreg s23  }
0xe: {  	s5 =	sshrl.u32 s5, $0x3;
	s25 =	sadd.s32 $0x7000, s6;
	[dreg:$0xc] =	wrdreg s24  }
0xf: {  	s26 =	sadd.s32 $0x8000, s6;
	s28 =	sadd.s32 $0x12000, s6;
	[dreg:$0xd] =	wrdreg s25  }
0x10: {  	s29 =	sadd.s32 $0x13000, s6;
	s1 =	sshrl.u32 s1, $0x3;
	[dreg:$0xe] =	wrdreg s26  }
0x11: {  	s19 =	sadd.s32 $0xA000, s6;
	s20 =	sadd.s32 $0xB000, s6;
	s21 =	sadd.s32 $0xC000, s6  }
0x12: {  	s22 =	sadd.s32 $0xD000, s6;
	s23 =	sadd.s32 $0xE000, s6;
	s24 =	sadd.s32 $0xF000, s6  }
0x13: {  	s25 =	sadd.s32 $0x10000, s6;
	s26 =	sadd.s32 $0x11000, s6;
	s1 =	sadd.s32 s1, s3  }
0x14: {  	s0 =	simm.s32 $0x6800;
	s3 =	sadd.s32 s5, s3;
	s17 =	sadd.s32 $0x2000, s1  }
0x15: {  	s5 =	simm.s32 $0x0;
	s1 =	sadd.s32 $0x2500, s1;
	[dreg:$0x3] =	wrdreg s17  }
0x16: {  	s18 =	sadd.s32 $0x3D200, s3;
	s3 =	simm.s32 $0xA800;
	[dreg:$0x4] =	wrdreg s1  }
0x17: {  	v0 =	vimm.f32 $0.0e+00;
	[dreg:$0x5] =	wrdreg s18;
	s18 =	sadd.s32 $0x9000, s6;
	s1 =	simm.s32 $0x2800  }
.LBB2_1:
0x18: {  	s7 =	simm.s32 $0x0;
	s8 =	rddreg [dreg:$0x3]  }
0x19: {  	[tilespmem:s7], [sflag:$0x3] =	stream.linear.gather [hbm4b:s8+s7], $0x2800, $0x38;
	[tilespmem:$0x1F800] =	vst v63  }
0x1a: {  	_ =	swait.ge [sflag:s30], $0x2800  }
0x1b: {  	[sflag:s30] =	ssyncset.done $0x0  }
0x1c: {  	[sflag:s30] =	ssyncadd.s32 $0xFFFFD800  }
0x1d: {  	[tilespmem:s1], [sflag:$0x1] =	stream.indirect.gather [hbm4b:s4+s31], $0x80, s7, s31, $0xb8;
	[tilespmem:$0x1F800] =	vst v63  }
0x1e: {  	s8 =	simm.s32 $0x200;
	s7 =	simm.s32 $0x0  }
0x1f: {  	[tilespmem:s0], [sflag:$0x2] =	stream.indirect.gather [hbm4b:s4+s31], $0x80, s31, s31, $0xb8;
	[tilespmem:$0x1F800] =	vst v63  }
.LBB2_2:
0x20: {  	p0 =	sne.s32 s8, $0x3E00;
	[tilespmem:s7+$0xA870] =	vst v0  }
0x21: {  	[tilespmem:s7+$0xA800] =	vst v0  }
0x22: {  	[tilespmem:s7+$0xA810] =	vst v0  }
.Ltmp0:
0x23: {  	[tilespmem:s7+$0xA820] =	vst v0;
	(pc) =	sbr.rel @p0 .LBB2_2-.Ltmp0, $4  }
0x24: {  	[tilespmem:s7+$0xA830] =	vst v0  }
0x25: {  	[tilespmem:s7+$0xA840] =	vst v0  }
0x26: {  	[tilespmem:s7+$0xA850] =	vst v0  }
0x27: {  	[tilespmem:s7+$0xA860] =	vst v0;
	s7 =	sshra.s32 s8, $0x2;
	s8 =	sadd.s32 $0x200, s8  }
0x28: {  	[tilespmem:s7+$0xA870] =	vst v0  }
0x29: {  	[tilespmem:s7+$0xA800] =	vst v0  }
0x2a: {  	[tilespmem:s7+$0xA810] =	vst v0  }
0x2b: {  	[tilespmem:s7+$0xA820] =	vst v0  }
0x2c: {  	[tilespmem:s7+$0xA830] =	vst v0  }
0x2d: {  	[tilespmem:s7+$0xA840] =	vst v0  }
0x2e: {  	[tilespmem:s7+$0xA850] =	vst v0  }
0x2f: {  	[tilespmem:s7+$0xA860] =	vst v0  }
0x30: {  	[spmem:s6] =	stream.linear.scatter [tilespmem:s3], [sflag:$0x3], $0x1000, $0x38;
	[tilespmem:$0x1F800] =	vst v63  }
0x31: {  	_ =	swait.ge [sflag:s30], $0x1000  }
0x32: {  	[sflag:s30] =	ssyncset.done $0x0  }
0x33: {  	s9 =	rddreg [dreg:$0x7];
	[sflag:s30] =	ssyncadd.s32 $0xFFFFF000  }
0x34: {  	[spmem:s9] =	stream.linear.scatter [tilespmem:s3], [sflag:$0x3], $0x1000, $0x38;
	[tilespmem:$0x1F800] =	vst v63  }
0x35: {  	_ =	swait.ge [sflag:s30], $0x1000  }
0x36: {  	[sflag:s30] =	ssyncset.done $0x0  }
0x37: {  	s10 =	rddreg [dreg:$0x8];
	[sflag:s30] =	ssyncadd.s32 $0xFFFFF000  }
0x38: {  	[spmem:s10] =	stream.linear.scatter [tilespmem:s3], [sflag:$0x3], $0x1000, $0x38;
	[tilespmem:$0x1F800] =	vst v63  }
0x39: {  	_ =	swait.ge [sflag:s30], $0x1000  }
0x3a: {  	[sflag:s30] =	ssyncset.done $0x0  }
0x3b: {  	s11 =	rddreg [dreg:$0x9];
	[sflag:s30] =	ssyncadd.s32 $0xFFFFF000  }
0x3c: {  	[spmem:s11] =	stream.linear.scatter [tilespmem:s3], [sflag:$0x3], $0x1000, $0x38;
	[tilespmem:$0x1F800] =	vst v63  }
0x3d: {  	_ =	swait.ge [sflag:s30], $0x1000  }
0x3e: {  	[sflag:s30] =	ssyncset.done $0x0  }
0x3f: {  	s12 =	rddreg [dreg:$0xa];
	[sflag:s30] =	ssyncadd.s32 $0xFFFFF000  }
0x40: {  	[spmem:s12] =	stream.linear.scatter [tilespmem:s3], [sflag:$0x3], $0x1000, $0x38;
	[tilespmem:$0x1F800] =	vst v63  }
0x41: {  	_ =	swait.ge [sflag:s30], $0x1000  }
0x42: {  	[sflag:s30] =	ssyncset.done $0x0  }
0x43: {  	s13 =	rddreg [dreg:$0xb];
	[sflag:s30] =	ssyncadd.s32 $0xFFFFF000  }
0x44: {  	[spmem:s13] =	stream.linear.scatter [tilespmem:s3], [sflag:$0x3], $0x1000, $0x38;
	[tilespmem:$0x1F800] =	vst v63  }
0x45: {  	_ =	swait.ge [sflag:s30], $0x1000  }
0x46: {  	[sflag:s30] =	ssyncset.done $0x0  }
0x47: {  	s14 =	rddreg [dreg:$0xc];
	[sflag:s30] =	ssyncadd.s32 $0xFFFFF000  }
0x48: {  	[spmem:s14] =	stream.linear.scatter [tilespmem:s3], [sflag:$0x3], $0x1000, $0x38;
	[tilespmem:$0x1F800] =	vst v63  }
0x49: {  	_ =	swait.ge [sflag:s30], $0x1000  }
0x4a: {  	[sflag:s30] =	ssyncset.done $0x0  }
0x4b: {  	s15 =	rddreg [dreg:$0xd];
	[sflag:s30] =	ssyncadd.s32 $0xFFFFF000  }
0x4c: {  	[spmem:s15] =	stream.linear.scatter [tilespmem:s3], [sflag:$0x3], $0x1000, $0x38;
	[tilespmem:$0x1F800] =	vst v63  }
0x4d: {  	_ =	swait.ge [sflag:s30], $0x1000  }
0x4e: {  	[sflag:s30] =	ssyncset.done $0x0  }
0x4f: {  	s16 =	rddreg [dreg:$0xe];
	[sflag:s30] =	ssyncadd.s32 $0xFFFFF000  }
0x50: {  	[spmem:s16] =	stream.linear.scatter [tilespmem:s3], [sflag:$0x3], $0x1000, $0x38;
	[tilespmem:$0x1F800] =	vst v63  }
0x51: {  	_ =	swait.ge [sflag:s30], $0x1000  }
0x52: {  	[sflag:s30] =	ssyncset.done $0x0  }
0x53: {  	[sflag:s30] =	ssyncadd.s32 $0xFFFFF000  }
0x54: {  	[spmem:s18] =	stream.linear.scatter [tilespmem:s3], [sflag:$0x3], $0x1000, $0x38;
	[tilespmem:$0x1F800] =	vst v63  }
0x55: {  	_ =	swait.ge [sflag:s30], $0x1000  }
0x56: {  	[sflag:s30] =	ssyncset.done $0x0  }
0x57: {  	[sflag:s30] =	ssyncadd.s32 $0xFFFFF000  }
0x58: {  	[spmem:s19] =	stream.linear.scatter [tilespmem:s3], [sflag:$0x3], $0x1000, $0x38;
	[tilespmem:$0x1F800] =	vst v63  }
0x59: {  	_ =	swait.ge [sflag:s30], $0x1000  }
0x5a: {  	[sflag:s30] =	ssyncset.done $0x0  }
0x5b: {  	[sflag:s30] =	ssyncadd.s32 $0xFFFFF000  }
0x5c: {  	[spmem:s20] =	stream.linear.scatter [tilespmem:s3], [sflag:$0x3], $0x1000, $0x38;
	[tilespmem:$0x1F800] =	vst v63  }
0x5d: {  	_ =	swait.ge [sflag:s30], $0x1000  }
0x5e: {  	[sflag:s30] =	ssyncset.done $0x0  }
0x5f: {  	[sflag:s30] =	ssyncadd.s32 $0xFFFFF000  }
0x60: {  	[spmem:s21] =	stream.linear.scatter [tilespmem:s3], [sflag:$0x3], $0x1000, $0x38;
	[tilespmem:$0x1F800] =	vst v63  }
0x61: {  	_ =	swait.ge [sflag:s30], $0x1000  }
0x62: {  	[sflag:s30] =	ssyncset.done $0x0  }
0x63: {  	[sflag:s30] =	ssyncadd.s32 $0xFFFFF000  }
0x64: {  	[spmem:s22] =	stream.linear.scatter [tilespmem:s3], [sflag:$0x3], $0x1000, $0x38;
	[tilespmem:$0x1F800] =	vst v63  }
0x65: {  	_ =	swait.ge [sflag:s30], $0x1000  }
0x66: {  	[sflag:s30] =	ssyncset.done $0x0  }
0x67: {  	[sflag:s30] =	ssyncadd.s32 $0xFFFFF000  }
0x68: {  	[spmem:s23] =	stream.linear.scatter [tilespmem:s3], [sflag:$0x3], $0x1000, $0x38;
	[tilespmem:$0x1F800] =	vst v63  }
0x69: {  	_ =	swait.ge [sflag:s30], $0x1000  }
0x6a: {  	[sflag:s30] =	ssyncset.done $0x0  }
0x6b: {  	[sflag:s30] =	ssyncadd.s32 $0xFFFFF000  }
0x6c: {  	[spmem:s24] =	stream.linear.scatter [tilespmem:s3], [sflag:$0x3], $0x1000, $0x38;
	[tilespmem:$0x1F800] =	vst v63  }
0x6d: {  	_ =	swait.ge [sflag:s30], $0x1000  }
0x6e: {  	[sflag:s30] =	ssyncset.done $0x0  }
0x6f: {  	[sflag:s30] =	ssyncadd.s32 $0xFFFFF000  }
0x70: {  	[spmem:s25] =	stream.linear.scatter [tilespmem:s3], [sflag:$0x3], $0x1000, $0x38;
	[tilespmem:$0x1F800] =	vst v63  }
0x71: {  	_ =	swait.ge [sflag:s30], $0x1000  }
0x72: {  	[sflag:s30] =	ssyncset.done $0x0  }
0x73: {  	[sflag:s30] =	ssyncadd.s32 $0xFFFFF000  }
0x74: {  	[spmem:s26] =	stream.linear.scatter [tilespmem:s3], [sflag:$0x3], $0x1000, $0x38;
	[tilespmem:$0x1F800] =	vst v63  }
0x75: {  	_ =	swait.ge [sflag:s30], $0x1000  }
0x76: {  	[sflag:s30] =	ssyncset.done $0x0  }
0x77: {  	[sflag:s30] =	ssyncadd.s32 $0xFFFFF000  }
0x78: {  	[spmem:s28] =	stream.linear.scatter [tilespmem:s3], [sflag:$0x3], $0x1000, $0x38;
	[tilespmem:$0x1F800] =	vst v63  }
0x79: {  	_ =	swait.ge [sflag:s30], $0x1000  }
0x7a: {  	[sflag:s30] =	ssyncset.done $0x0  }
0x7b: {  	[sflag:s30] =	ssyncadd.s32 $0xFFFFF000  }
0x7c: {  	[spmem:s29] =	stream.linear.scatter [tilespmem:s3], [sflag:$0x3], $0x1000, $0x38;
	[tilespmem:$0x1F800] =	vst v63  }
0x7d: {  	_ =	swait.ge [sflag:s30], $0x1000  }
0x7e: {  	s17 =	simm.s32 $0x0;
	[sflag:s30] =	ssyncset.done $0x0  }
0x7f: {  	s8 =	sand.u32 $0x1, s17;
	[sflag:s30] =	ssyncadd.s32 $0xFFFFF000  }
0x80: {  	s9 =	sadd.s32 $0x1, s8;
	[bflag:$0x0] =	sbarrier.arrive $0xFFFF  }
0x81: {  	s7 =	simm.s32 $0x1;
	_ =	swait.ge [sflag:s9], $0x4000  }
0x82: {  	p0 =	por $0x0, $0x0;
	s8 =	sshll.u32 s8, $0xE;
	[sflag:s9] =	ssyncset.done $0x0  }
0x83: {  	s10 =	simm.s32 $0x1400;
	s12 =	sor.u32 $0x2800, s8;
	[sflag:s9] =	ssyncadd.s32 $0xFFFFC000  }
0x84: {  	[spmem:s2] =	stream.indirect.scatter.add.f32 [tilespmem:s12], [sflag:$0x3], $0x80, s10, s31, $0xb8;
	[tilespmem:$0x1F800] =	vst v63  }
0x85: {  	s11 =	simm.s32 $0x2;
	s8 =	simm.s32 $0x1480;
	_ =	swait.ge [sflag:s30], $0x4000  }
0x86: {  	s13 =	sand.u32 $0x1, s7;
	s14 =	simm.s32 @!p0 $0x80;
	[sflag:s30] =	ssyncset.done $0x0  }
.LBB2_4:
0x87: {  	s15 =	sadd.s32 $0x1, s13  }
0x88: {  	[sflag:s30] =	ssyncadd.s32 $0xFFFFC000;
	s16 =	sadd.s32 @!p0 $0xFFFFED00, s10;
	s17 =	smov.u32 s7  }
0x89: {  	s7 =	smov.u32 s11;
	s10 =	smov.u32 s8;
	s11 =	sadd.s32 $0x1, s11  }
0x8a: {  	[tilespmem:s12], [sflag:s9] =	stream.indirect.gather @!p0 [hbm4b:s4+s14], $0x80, s16, s14, $0xb8;
	[tilespmem:$0x1F800] =	vst v63  }
0x8b: {  	s9 =	smov.u32 s15;
	p1 =	sne.s32 s11, $0x28;
	_ =	swait.ge [sflag:s15], $0x4000  }
.Ltmp1:
0x8c: {  	s12 =	sshll.u32 s13, $0xE;
	[sflag:s9] =	ssyncset.done $0x0;
	(pc) =	sbr.rel @p1 .LBB2_4-.Ltmp1, $4  }
0x8d: {  	s12 =	sor.u32 $0x2800, s12;
	[sflag:s9] =	ssyncadd.s32 $0xFFFFC000  }
0x8e: {  	[spmem:s2] =	stream.indirect.scatter.add.f32 [tilespmem:s12], [sflag:$0x3], $0x80, s8, s31, $0xb8;
	[tilespmem:$0x1F800] =	vst v63  }
0x8f: {  	p0 =	sgt.u32 s17, $0x25;
	s8 =	sadd.s32 $0x80, s8;
	_ =	swait.ge [sflag:s30], $0x4000  }
0x90: {  	s13 =	sand.u32 $0x1, s7;
	s14 =	simm.s32 @!p0 $0x80;
	[sflag:s30] =	ssyncset.done $0x0  }
0x91: {  	s11 =	sadd.s32 $0x1, s13;
	[sflag:s30] =	ssyncadd.s32 $0xFFFFC000;
	s10 =	sadd.s32 @!p0 $0xFFFFED00, s10  }
0x92: {  	[tilespmem:s12], [sflag:s9] =	stream.indirect.gather @!p0 [hbm4b:s4+s14], $0x80, s10, s14, $0xb8;
	[tilespmem:$0x1F800] =	vst v63  }
0x93: {  	_ =	swait.ge [sflag:s11], $0x4000  }
0x94: {  	s14 =	sshll.u32 s13, $0xE;
	[sflag:s11] =	ssyncset.done $0x0  }
0x95: {  	s9 =	sor.u32 $0x2800, s14;
	[sflag:s11] =	ssyncadd.s32 $0xFFFFC000  }
0x96: {  	[spmem:s2] =	stream.indirect.scatter.add.f32 [tilespmem:s9], [sflag:$0x3], $0x80, s8, s31, $0xb8;
	[tilespmem:$0x1F800] =	vst v63  }
0x97: {  	_ =	swait.ge [sflag:s30], $0x4000  }
0x98: {  	p0 =	sgt.u32 s7, $0x25;
	[sflag:s30] =	ssyncset.done $0x0  }
0x99: {  	s7 =	simm.s32 @!p0 $0x80;
	s8 =	sadd.s32 @!p0 $0xFFFFED00, s8;
	[sflag:s30] =	ssyncadd.s32 $0xFFFFC000  }
0x9a: {  	[tilespmem:s9], [sflag:s11] =	stream.indirect.gather @!p0 [hbm4b:s4+s7], $0x80, s8, s7, $0xb8;
	[tilespmem:$0x1F800] =	vst v63  }
0x9b: {  	s15 =	simm.s32 $0x0;
	s16 =	rddreg [dreg:$0x4]  }
0x9c: {  	[tilespmem:s15], [sflag:$0x3] =	stream.linear.gather [hbm4b:s16+s15], $0x2800, $0x38;
	[tilespmem:$0x1F800] =	vst v63  }
0x9d: {  	_ =	swait.ge [sflag:s30], $0x2800  }
0x9e: {  	[sflag:s30] =	ssyncset.done $0x0  }
0x9f: {  	s17 =	sand.u32 $0x1, s15;
	[sflag:s30] =	ssyncadd.s32 $0xFFFFD800  }
0xa0: {  	[tilespmem:s1], [sflag:$0x1] =	stream.indirect.gather [hbm4b:s4+s31], $0x80, s15, s31, $0xb8;
	[tilespmem:$0x1F800] =	vst v63  }
0xa1: {  	s9 =	sadd.s32 $0x1, s17  }
0xa2: {  	[tilespmem:s0], [sflag:$0x2] =	stream.indirect.gather [hbm4b:s4+s31], $0x80, s31, s31, $0xb8;
	[tilespmem:$0x1F800] =	vst v63  }
0xa3: {  	s10 =	simm.s32 $0x1400;
	_ =	swait.ge [sflag:s9], $0x4000  }
0xa4: {  	s7 =	simm.s32 $0x1;
	s8 =	sshll.u32 s17, $0xE;
	[sflag:s9] =	ssyncset.done $0x0  }
0xa5: {  	s11 =	simm.s32 $0x2;
	s12 =	sor.u32 $0x2800, s8;
	[sflag:s9] =	ssyncadd.s32 $0xFFFFC000  }
0xa6: {  	[spmem:s2] =	stream.indirect.scatter.add.f32 [tilespmem:s12], [sflag:$0x3], $0x80, s10, s31, $0xb8;
	[tilespmem:$0x1F800] =	vst v63  }
0xa7: {  	p0 =	por $0x0, $0x0;
	s8 =	simm.s32 $0x1480;
	_ =	swait.ge [sflag:s30], $0x4000  }
0xa8: {  	s13 =	sand.u32 $0x1, s7;
	s14 =	simm.s32 @!p0 $0x80;
	[sflag:s30] =	ssyncset.done $0x0  }
.LBB2_6:
0xa9: {  	s15 =	sadd.s32 $0x1, s13  }
0xaa: {  	[sflag:s30] =	ssyncadd.s32 $0xFFFFC000;
	s16 =	sadd.s32 @!p0 $0xFFFFED00, s10;
	s17 =	smov.u32 s7  }
0xab: {  	s7 =	smov.u32 s11;
	s10 =	smov.u32 s8;
	s11 =	sadd.s32 $0x1, s11  }
0xac: {  	[tilespmem:s12], [sflag:s9] =	stream.indirect.gather @!p0 [hbm4b:s4+s14], $0x80, s16, s14, $0xb8;
	[tilespmem:$0x1F800] =	vst v63  }
0xad: {  	s9 =	smov.u32 s15;
	p1 =	sne.s32 s11, $0x28;
	_ =	swait.ge [sflag:s15], $0x4000  }
.Ltmp2:
0xae: {  	s12 =	sshll.u32 s13, $0xE;
	[sflag:s9] =	ssyncset.done $0x0;
	(pc) =	sbr.rel @p1 .LBB2_6-.Ltmp2, $4  }
0xaf: {  	s12 =	sor.u32 $0x2800, s12;
	[sflag:s9] =	ssyncadd.s32 $0xFFFFC000  }
0xb0: {  	[spmem:s2] =	stream.indirect.scatter.add.f32 [tilespmem:s12], [sflag:$0x3], $0x80, s8, s31, $0xb8;
	[tilespmem:$0x1F800] =	vst v63  }
0xb1: {  	p0 =	sgt.u32 s17, $0x25;
	s8 =	sadd.s32 $0x80, s8;
	_ =	swait.ge [sflag:s30], $0x4000  }
0xb2: {  	s13 =	sand.u32 $0x1, s7;
	s14 =	simm.s32 @!p0 $0x80;
	[sflag:s30] =	ssyncset.done $0x0  }
0xb3: {  	s11 =	sadd.s32 $0x1, s13;
	[sflag:s30] =	ssyncadd.s32 $0xFFFFC000;
	s10 =	sadd.s32 @!p0 $0xFFFFED00, s10  }
0xb4: {  	[tilespmem:s12], [sflag:s9] =	stream.indirect.gather @!p0 [hbm4b:s4+s14], $0x80, s10, s14, $0xb8;
	[tilespmem:$0x1F800] =	vst v63  }
0xb5: {  	_ =	swait.ge [sflag:s11], $0x4000  }
0xb6: {  	s13 =	sshll.u32 s13, $0xE;
	[sflag:s11] =	ssyncset.done $0x0  }
0xb7: {  	s9 =	sor.u32 $0x2800, s13;
	[sflag:s11] =	ssyncadd.s32 $0xFFFFC000  }
0xb8: {  	[spmem:s2] =	stream.indirect.scatter.add.f32 [tilespmem:s9], [sflag:$0x3], $0x80, s8, s31, $0xb8;
	[tilespmem:$0x1F800] =	vst v63  }
0xb9: {  	_ =	swait.ge [sflag:s30], $0x4000  }
0xba: {  	p0 =	sgt.u32 s7, $0x25;
	s14 =	stileid.u32;
	[sflag:s30] =	ssyncset.done $0x0  }
0xbb: {  	s7 =	simm.s32 @!p0 $0x80;
	s8 =	sadd.s32 @!p0 $0xFFFFED00, s8;
	[sflag:s30] =	ssyncadd.s32 $0xFFFFC000  }
0xbc: {  	[tilespmem:s9], [sflag:s11] =	stream.indirect.gather @!p0 [hbm4b:s4+s7], $0x80, s8, s7, $0xb8;
	[tilespmem:$0x1F800] =	vst v63  }
0xbd: {  	s7 =	sshll.u32 s14, $0x6;
	[bflag:$0x0] =	sbarrier.arrive $0xFFFF  }
0xbe: {  	s15 =	sshrl.u32 s6, $0x3;
	s7 =	sor.u32 $0x1C03, s7;
	s16 =	rddreg [dreg:$0x5]  }
0xbf: {  	[hbm:s16], [sflag:s7] =	dma.local [spmem:s15], $0x2800  }
0xc0: {  	_ =	swait.ge [sflag:s30], $0x2800  }
0xc1: {  	s5 =	sadd.s32 $0x1, s5;
	s17 =	rddreg [dreg:$0x6]  }
0xc2: {  	p0 =	sne.s32 s5, s17  }
.Ltmp3:
0xc3: {  	_ = 	snop;
	(pc) =	sbr.rel @p0 .LBB2_1-.Ltmp3, $3  }
0xc4: {  	_ =	sdelay $0x1  }
0xc5: {  	[sflag:s30] =	ssyncset.done $0x0  }
0xc6: {  	[sflag:s30] =	ssyncadd.s32 $0xFFFFD800  }
0xc7: {  	_ =	sfence.sel $0x180000  }
0xc8: {  	[bflag:$0x0] =	sbarrier.arrive $0xFFFF  }
0xc9: {  	_ =	strace $0x9000004A  }
0xca: {  	s0 =	stileid.u32;
	[bflag:$0x2] =	sbarrier.arrive $0xFFFF  }
0xcb: {  	p0 =	sne.s32 s0, $0x0;
	s0 =	rddreg [dreg:$0x2]  }
0xcc: {  	s0 =	sadd.s32 @!p0 $0x100000, s0  }
0xcd: {  	[sflag:s0] =	ssyncadd.tile.s32 @!p0 $0x1;
	_ =	shalt  }
.Lfunc_end2:
_tile_overlayer_lowered:
.L_overlay_start_2:
0xce: {  	(tag) =	ssettag $0x2  }
0xcf: {  	s0 =	rddreg [dreg:$0x0];
	s2 =	stileid.u32  }
0xd0: {  	s1 =	rddreg [dreg:$0x1];
	p0 =	sne.s32 s2, $0x0  }
0xd1: {  	s3 =	rddreg [dreg:$0x2];
	[bflag:$0x3] =	sbarrier.arrive $0xFFFF;
	s2 =	simm.s32 @!p0 $0x1C03  }
0xd2: {  	[timem:s3], [sflag:s2] =	dma.local @!p0 [hbm:s0], s1  }
0xd3: {  	s0 =	simm.s32 @!p0 $0x3  }
0xd4: {  	_ =	swait.ge @!p0 [sflag:s0], s1  }
0xd5: {  	s1 =	ssub.s32 @!p0 $0x0, s1;
	[sflag:s0] =	ssyncset.done @!p0 $0x0  }
0xd6: {  	[sflag:s0] =	ssyncadd.s32 @!p0 s1  }
0xd7: {  	[bflag:$0x3] =	sbarrier.arrive $0xFFFF  }
0xd8: {  	_ =	shalt  }

// kernel: kernel.7.cloned.1.call-start
scs
__scs_entry_jumppad:
0x0: {  	(pc) =	sbr.rel $0x88, $3  }
0x1: {  	(tag) =	ssettag $0x0;
	lr =	simm.s32 $0x1  }
0x2: {  	[smem:$0x3F99] =	sst lr;
	_ =	strace $0xD0000000  }
0x3: {  	_ = 	snop  }
0x4: {  	_ = 	snop  }
0x5: {  	_ = 	snop  }
0x6: {  	_ = 	snop  }
0x7: {  	_ = 	snop  }
__scs_overlays_trampoline_lowered:
0x8: {  	[smem:$0x3FA8] =	sst s0  }
0x9: {  	[smem:$0x3FA9] =	sst s1  }
0xa: {  	[smem:$0x3FAA] =	sst s2  }
0xb: {  	[smem:$0x3FAB] =	sst s3  }
0xc: {  	[smem:$0x3FAC] =	sst s4  }
0xd: {  	[smem:$0x3FAD] =	sst s5  }
0xe: {  	[smem:$0x3FAE] =	sst s6  }
0xf: {  	[smem:$0x3FAF] =	sst s7  }
0x10: {  	[smem:$0x3FB0] =	sst s8  }
0x11: {  	[smem:$0x3FB1] =	sst s9;
	s0 =	simm.s32 @!p0 $0x0  }
0x12: {  	s1 =	sld [smem:$0x3F97];
	s0 =	simm.s32 @p0 $0x1  }
0x13: {  	[smem:$0x3FB2] =	sst s0;
	s0 =	simm.s32 @!p1 $0x0  }
0x14: {  	s2 =	sld [smem:$0x3F96];
	s0 =	simm.s32 @p1 $0x1  }
0x15: {  	[smem:$0x3FB3] =	sst s0;
	s0 =	simm.s32 @!p2 $0x0  }
0x16: {  	s3 =	sld [smem:$0x3FDB];
	s0 =	simm.s32 @p2 $0x1  }
0x17: {  	s4 =	simm.s32 $0x1BF5;
	[smem:$0x3FB5] =	sst s0  }
0x18: {  	s0 =	sld [smem:$0x3F98];
	_ =	swait.ge [sflag:s4], $0x0  }
0x19: {  	s7 =	sld [smem:$0x3F99]  }
0x1a: {  	s8 =	sadd.s32 $0xFFFFE003, lr  }
0x1b: {  	s9 =	sadd.s32 $0xFFFFFEF7, lr;
	s5 =	simm.s32 $0xFFFFFFFF;
	p2 =	slt.u32 s8, $0xFFFFF086  }
0x1c: {  	p1 =	slt.u32 s9, $0xF7A;
	s5 =	simm.s32 @!p2 $0x0  }
0x1d: {  	s5 =	simm.s32 @p1 $0x1;
	p0 =	seq.s32 s7, s2  }
0x1e: {  	s7 =	smul.u32 @!p0 $0xF7A, s2;
	p2 =	seq.s32 @!p0 s5, $0x0  }
0x1f: {  	s9 =	smul.u32 $0xF7A, s1;
	s8 =	simm.s32 @!p0 $0x1BF5;
	p2 =	por !p2, p0  }
0x20: {  	[sflag:s8] =	ssyncset.s32 @!p0 $0xFFFFF086;
	s6 =	sadd.s32 @!p0 s3, s7;
	s7 =	simm.s32 @!p0 $0x108  }
0x21: {  	s3 =	sadd.s32 s3, s9;
	s6 =	sadd.s32 @!p0 $0x88, s6;
	s7 =	simm.s32 @p2 $0x1082  }
0x22: {  	[simem:s7], [sflag:s8] =	dma.local @!p0 [hbm:s6], $0xF7A  }
0x23: {  	s9 =	sor.u32 $0xD0000000, s2;
	s6 =	simm.s32 $0x108;
	_ =	swait.ge @!p0 [sflag:s8], $0x0  }
0x24: {  	s3 =	sadd.s32 $0x88, s3;
	s6 =	simm.s32 @!p1 $0x1082;
	[sflag:s4] =	ssyncset.s32 $0xFFFFF086  }
0x25: {  	[simem:s6], [sflag:s4] =	dma.local [hbm:s3], $0xF7A  }
0x26: {  	[smem:$0x3F99] =	sst s1;
	(tag) =	ssettag s2;
	_ =	strace s9  }
0x27: {  	s1 =	sld [smem:$0x3FA9]  }
0x28: {  	s2 =	sld [smem:$0x3FAA]  }
0x29: {  	s4 =	sld [smem:$0x3FAC]  }
0x2a: {  	p0 =	seq.s32 s5, $0x0;
	s5 =	sld [smem:$0x3FAD]  }
0x2b: {  	s6 =	sld [smem:$0x3FAE]  }
0x2c: {  	s7 =	sld [smem:$0x3FAF]  }
0x2d: {  	s3 =	simm.s32 $0x108;
	s8 =	sld [smem:$0x3FB0]  }
0x2e: {  	s3 =	simm.s32 @!p0 $0x1082;
	s9 =	sld [smem:$0x3FB1]  }
0x2f: {  	lr =	sadd.s32 s0, s3;
	s0 =	sld [smem:$0x3FA8]  }
0x30: {  	s3 =	sld [smem:$0x3FAB]  }
0x31: {  	[smem:$0x3FB4] =	sst s10  }
0x32: {  	s10 =	sld [smem:$0x3FB2];
	_ =	sdelay $0x3  }
0x33: {  	p0 =	seq.s32 s10, $0x1;
	s10 =	sld [smem:$0x3FB4];
	_ =	sdelay $0x3  }
0x34: {  	[smem:$0x3FB4] =	sst s10  }
0x35: {  	s10 =	sld [smem:$0x3FB3];
	_ =	sdelay $0x3  }
0x36: {  	p1 =	seq.s32 s10, $0x1;
	s10 =	sld [smem:$0x3FB4];
	_ =	sdelay $0x3  }
0x37: {  	[smem:$0x3FB4] =	sst s10  }
0x38: {  	s10 =	sld [smem:$0x3FB5]  }
0x39: {  	_ = 	snop;
	(pc) =	sbr.ind lr, $3  }
0x3a: {  	_ = 	snop  }
0x3b: {  	_ = 	snop  }
0x3c: {  	p2 =	seq.s32 s10, $0x1;
	s10 =	sld [smem:$0x3FB4]  }
0x3d: {  	_ =	shalt  }
0x3e: {  	_ =	shalt  }
0x3f: {  	_ =	shalt  }
0x40: {  	_ =	shalt  }
0x41: {  	_ =	shalt  }
0x42: {  	_ =	shalt  }
0x43: {  	_ =	shalt  }
0x44: {  	_ =	shalt  }
0x45: {  	_ =	shalt  }
0x46: {  	_ =	shalt  }
0x47: {  	_ =	shalt  }
0x48: {  	_ =	shalt  }
0x49: {  	_ =	shalt  }
0x4a: {  	_ =	shalt  }
0x4b: {  	_ =	shalt  }
0x4c: {  	_ =	shalt  }
0x4d: {  	_ =	shalt  }
0x4e: {  	_ =	shalt  }
0x4f: {  	_ =	shalt  }
0x50: {  	_ =	shalt  }
0x51: {  	_ =	shalt  }
0x52: {  	_ =	shalt  }
0x53: {  	_ =	shalt  }
0x54: {  	_ =	shalt  }
0x55: {  	_ =	shalt  }
0x56: {  	_ =	shalt  }
0x57: {  	_ =	shalt  }
0x58: {  	_ =	shalt  }
0x59: {  	_ =	shalt  }
0x5a: {  	_ =	shalt  }
0x5b: {  	_ =	shalt  }
0x5c: {  	_ =	shalt  }
0x5d: {  	_ =	shalt  }
0x5e: {  	_ =	shalt  }
0x5f: {  	_ =	shalt  }
0x60: {  	_ =	shalt  }
0x61: {  	_ =	shalt  }
0x62: {  	_ =	shalt  }
0x63: {  	_ =	shalt  }
0x64: {  	_ =	shalt  }
0x65: {  	_ =	shalt  }
0x66: {  	_ =	shalt  }
0x67: {  	_ =	shalt  }
0x68: {  	_ =	shalt  }
0x69: {  	_ =	shalt  }
0x6a: {  	_ =	shalt  }
0x6b: {  	_ =	shalt  }
0x6c: {  	_ =	shalt  }
0x6d: {  	_ =	shalt  }
0x6e: {  	_ =	shalt  }
0x6f: {  	_ =	shalt  }
0x70: {  	_ =	shalt  }
0x71: {  	_ =	shalt  }
0x72: {  	_ =	shalt  }
0x73: {  	_ =	shalt  }
0x74: {  	_ =	shalt  }
0x75: {  	_ =	shalt  }
0x76: {  	_ =	shalt  }
0x77: {  	_ =	shalt  }
0x78: {  	_ =	shalt  }
0x79: {  	_ =	shalt  }
0x7a: {  	_ =	shalt  }
0x7b: {  	_ =	shalt  }
0x7c: {  	_ =	shalt  }
0x7d: {  	_ =	shalt  }
0x7e: {  	_ =	shalt  }
0x7f: {  	_ =	shalt  }
0x80: {  	_ =	shalt  }
0x81: {  	_ =	shalt  }
0x82: {  	_ =	shalt  }
0x83: {  	_ =	shalt  }
0x84: {  	_ =	shalt  }
0x85: {  	_ =	shalt  }
0x86: {  	_ =	shalt  }
0x87: {  	_ =	shalt  }
.Lfunc_end0:
.L_simem_size_0:
called_computation_lowered:
.L_overlay_start_0:
0x88: {  	s2 =	sld [smem:$0x3FD9]  }
0x89: {  	s3 =	sld [smem:$0x3FFE];
	_ =	sdelay $0x1  }
0x8a: {  	s1 =	srdreg.scid  }
0x8b: {  	s0 =	sand.u32 $0x1, s1  }
0x8c: {  	s16 =	sshll.u32 s0, $0xA;
	s2 =	sadd.s32 s3, s2  }
0x8d: {  	s2 =	sadd.s32 s2, s16  }
0x8e: {  	[smem:$0x3FC0] =	sst s2  }
0x8f: {  	_ = 	snop  }
0x90: {  	(tm) =	ssettm $0x1  }
0x91: {  	s17 =	sld [smem:$0x3FFB];
	_ =	sdelay $0x3  }
0x92: {  	_ =	strace s17  }
0x93: {  	s2 =	sld [smem:$0x3FFC];
	_ =	sdelay $0x3  }
0x94: {  	_ =	strace s2  }
0x95: {  	s2 =	sld [smem:$0x3FFD];
	_ =	sdelay $0x3  }
0x96: {  	_ =	strace s2  }
0x97: {  	_ =	strace $0x8FFFFFFF  }
0x98: {  	s18 =	sld [smem:$0x3FDB];
	_ =	sdelay $0x1  }
0x99: {  	s19 =	simm.s32 $_scs_section_size  }
0x9a: {  	s4 =	simm.s32 $_size__tile_overlayer_lowered;
	s5 =	simm.s32 $_tile_overlayer_lowered  }
0x9b: {  	s22 =	simm.s32 $0x1BFF;
	s21 =	sshll.u32 s5, $0x1;
	s2 =	sadd.s32 s19, s18  }
0x9c: {  	s6 =	simm.s32 $0x0;
	s20 =	sshll.u32 s4, $0x1;
	s4 =	sadd.s32 s21, s2  }
0x9d: {  	[timem:s6], [sflag:s22] =	dma.local [hbm:s4], s20  }
0x9e: {  	_ =	swait.ge [sflag:s22], s20  }
0x9f: {  	s3 =	ssub.s32 $0x0, s20;
	[sflag:s22] =	ssyncset.done $0x0  }
0xa0: {  	[sflag:s22] =	ssyncadd.s32 s3;
	_ =	sdelay $0x1  }
0xa1: {  	s23 =	simm.s32 $0x1B8B  }
0xa2: {  	_ =	swait.ge [sflag:s23], $0x1  }
0xa3: {  	[sflag:s23] =	ssyncset.done $0x0  }
0xa4: {  	s25 =	simm.s32 $0x1B8E;
	s24 =	sld [smem:$0x3FFE];
	[sflag:s23] =	ssyncadd.s32 $0xFFFFFFFF  }
0xa5: {  	s26 =	simm.s32 $execute0_lowered;
	[smem:$0x3FD2] =	sst s25  }
0xa6: {  	s4 =	sshll.u32 s26, $0x1;
	_ =	strace $0x80000046;
	[dreg:$0x1] =	wrdreg $0xFFFFFFFF  }
0xa7: {  	s28 =	simm.s32 $_size_execute0_lowered;
	s2 =	sadd.s32 s2, s4;
	[dreg:$0x0] =	wrdreg $0x0  }
0xa8: {  	s4 =	sshll.u32 s28, $0x1;
	[dreg:$0x2] =	wrdreg s2  }
0xa9: {  	[dreg:$0x3] =	wrdreg s4  }
0xaa: {  	[dreg:$0x4] =	wrdreg $0xC0  }
0xab: {  	_ =	task [dreg:s6], $0x5FFFF  }
0xac: {  	[dreg:$0x1] =	wrdreg $0xFFFFFFFF  }
0xad: {  	[dreg:$0x0] =	wrdreg $0x60  }
0xae: {  	[dreg:$0x2] =	wrdreg s24  }
0xaf: {  	[dreg:$0x3] =	wrdreg $0xB8000  }
0xb0: {  	[dreg:$0x4] =	wrdreg $0x9  }
0xb1: {  	_ =	task.clear_ibuf [dreg:s6], $0x5FFFF;
	_ =	strace $0x90000046  }
0xb2: {  	s29 =	simm.s32 $0x9;
	_ =	strace $0x80000048  }
0xb3: {  	_ =	swait.ge [sflag:s29], $0x1  }
0xb4: {  	[sflag:s29] =	ssyncadd.s32 $0xFFFFFFFF  }
0xb5: {  	_ =	strace $0x90000048  }
0xb6: {  	_ =	sfence  }
0xb7: {  	s30 =	sld [smem:$0x0];
	_ =	sdelay $0x2  }
0xb8: {  	s31 =	sshll.u32 s1, $0xD;
	s1 =	sshrl.u32 s1, $0x2  }
0xb9: {  	s3 =	sand.u32 $0x4000, s31;
	s1 =	sadd.s32 s1, s30  }
0xba: {  	s0 =	sor.u32 s3, s0;
	s1 =	sshll.u32 s1, $0x11  }
0xbb: {  	s0 =	sor.u32 s1, s0  }
0xbc: {  	s0 =	sadd.s32 $0x8F2B, s0  }
0xbd: {  	[sflag:s0] =	ssyncadd.remote.s32 $0x1  }
0xbe: {  	_ =	sfence.sel $0xFFFF  }
0xbf: {  	[dreg:$0x0] =	wrdreg $0xFFFFFFFF;
	(pc) =	sbr.abs _section_cstart, $3  }
0xc0: {  	[dreg:$0x1] =	wrdreg $0xFFFFFFFF  }
0xc1: {  	_ =	task.clear_ibuf [dreg:s6], $0x2FFFF;
	_ =	strace $0x9FFFFFFF  }
0xc2: {  	(tm) =	ssettm $0x7FFFFFFF  }
0xc3: {  	_ =	shalt  }
tec
execute0_lowered:
.L_overlay_start_1:
0x0: {  	(tag) =	ssettag $0x1  }
0x1: {  	s0 =	srdreg.scid  }
0x2: {  	s7 =	stileid.u32;
	s3 =	rddreg [dreg:$0x0]  }
0x3: {  	s2 =	rddreg [dreg:$0x1];
	s0 =	sand.u32 $0x1, s0;
	s14 =	smul.u32 $0x50000, s7  }
0x4: {  	s1 =	sshll.u32 s0, $0x4;
	s5 =	smul.u32 $0x140000, s0;
	s0 =	ssub.s32 $0x2, s0  }
0x5: {  	s4 =	simm.s32 $0x0;
	s6 =	smul.u32 $0x14000, s7;
	s15 =	sshrl.u32 s0, $0x1  }
0x6: {  	[smem:$0x7FF] =	sst s4;
	s16 =	sshrl.u32 s14, $0x2;
	s0 =	ssub.s32 s0, s15  }
0x7: {  	s5 =	sadd.s32 s6, s5;
	s6 =	sadd.s32 s16, s2;
	s0 =	smax.u32 s0, $0x1  }
0x8: {  	_ =	strace $0x80000047;
	s19 =	sadd.s32 $0x1000, s6;
	[dreg:$0x6] =	wrdreg s0  }
0x9: {  	s30 =	simm.s32 $0x3;
	s20 =	sadd.s32 $0x2000, s6;
	[dreg:$0x7] =	wrdreg s19  }
0xa: {  	s31 =	simm.s32 $0x80;
	s21 =	sadd.s32 $0x3000, s6;
	[dreg:$0x8] =	wrdreg s20  }
0xb: {  	s4 =	sadd.s32 $0x16000, s3;
	s22 =	sadd.s32 $0x4000, s6;
	[dreg:$0x9] =	wrdreg s21  }
0xc: {  	s1 =	sor.u32 s7, s1;
	s23 =	sadd.s32 $0x5000, s6;
	[dreg:$0xa] =	wrdreg s22  }
0xd: {  	s1 =	smul.u32 $0x5000, s1;
	s24 =	sadd.s32 $0x6000, s6;
	[dreg:$0xb] =	wrdreg s23  }
0xe: {  	s5 =	sshrl.u32 s5, $0x3;
	s25 =	sadd.s32 $0x7000, s6;
	[dreg:$0xc] =	wrdreg s24  }
0xf: {  	s26 =	sadd.s32 $0x8000, s6;
	s28 =	sadd.s32 $0x12000, s6;
	[dreg:$0xd] =	wrdreg s25  }
0x10: {  	s29 =	sadd.s32 $0x13000, s6;
	s1 =	sshrl.u32 s1, $0x3;
	[dreg:$0xe] =	wrdreg s26  }
0x11: {  	s19 =	sadd.s32 $0xA000, s6;
	s20 =	sadd.s32 $0xB000, s6;
	s21 =	sadd.s32 $0xC000, s6  }
0x12: {  	s22 =	sadd.s32 $0xD000, s6;
	s23 =	sadd.s32 $0xE000, s6;
	s24 =	sadd.s32 $0xF000, s6  }
0x13: {  	s25 =	sadd.s32 $0x10000, s6;
	s26 =	sadd.s32 $0x11000, s6;
	s1 =	sadd.s32 s1, s3  }
0x14: {  	s0 =	simm.s32 $0x6800;
	s3 =	sadd.s32 s5, s3;
	s17 =	sadd.s32 $0x2000, s1  }
0x15: {  	s5 =	simm.s32 $0x0;
	s1 =	sadd.s32 $0x2500, s1;
	[dreg:$0x3] =	wrdreg s17  }
0x16: {  	s18 =	sadd.s32 $0x3D200, s3;
	s3 =	simm.s32 $0xA800;
	[dreg:$0x4] =	wrdreg s1  }
0x17: {  	v0 =	vimm.f32 $0.0e+00;
	[dreg:$0x5] =	wrdreg s18;
	s18 =	sadd.s32 $0x9000, s6;
	s1 =	simm.s32 $0x2800  }
.LBB2_1:
0x18: {  	s7 =	simm.s32 $0x0;
	s8 =	rddreg [dreg:$0x3]  }
0x19: {  	[tilespmem:s7], [sflag:$0x3] =	stream.linear.gather [hbm4b:s8+s7], $0x2800, $0x38;
	[tilespmem:$0x1F800] =	vst v63  }
0x1a: {  	_ =	swait.ge [sflag:s30], $0x2800  }
0x1b: {  	[sflag:s30] =	ssyncset.done $0x0  }
0x1c: {  	[sflag:s30] =	ssyncadd.s32 $0xFFFFD800  }
0x1d: {  	[tilespmem:s1], [sflag:$0x1] =	stream.indirect.gather [hbm4b:s4+s31], $0x80, s7, s31, $0xb8;
	[tilespmem:$0x1F800] =	vst v63  }
0x1e: {  	s8 =	simm.s32 $0x200;
	s7 =	simm.s32 $0x0  }
0x1f: {  	[tilespmem:s0], [sflag:$0x2] =	stream.indirect.gather [hbm4b:s4+s31], $0x80, s31, s31, $0xb8;
	[tilespmem:$0x1F800] =	vst v63  }
.LBB2_2:
0x20: {  	p0 =	sne.s32 s8, $0x3E00;
	[tilespmem:s7+$0xA870] =	vst v0  }
0x21: {  	[tilespmem:s7+$0xA800] =	vst v0  }
0x22: {  	[tilespmem:s7+$0xA810] =	vst v0  }
.Ltmp0:
0x23: {  	[tilespmem:s7+$0xA820] =	vst v0;
	(pc) =	sbr.rel @p0 .LBB2_2-.Ltmp0, $4  }
0x24: {  	[tilespmem:s7+$0xA830] =	vst v0  }
0x25: {  	[tilespmem:s7+$0xA840] =	vst v0  }
0x26: {  	[tilespmem:s7+$0xA850] =	vst v0  }
0x27: {  	[tilespmem:s7+$0xA860] =	vst v0;
	s7 =	sshra.s32 s8, $0x2;
	s8 =	sadd.s32 $0x200, s8  }
0x28: {  	[tilespmem:s7+$0xA870] =	vst v0  }
0x29: {  	[tilespmem:s7+$0xA800] =	vst v0  }
0x2a: {  	[tilespmem:s7+$0xA810] =	vst v0  }
0x2b: {  	[tilespmem:s7+$0xA820] =	vst v0  }
0x2c: {  	[tilespmem:s7+$0xA830] =	vst v0  }
0x2d: {  	[tilespmem:s7+$0xA840] =	vst v0  }
0x2e: {  	[tilespmem:s7+$0xA850] =	vst v0  }
0x2f: {  	[tilespmem:s7+$0xA860] =	vst v0  }
0x30: {  	[spmem:s6] =	stream.linear.scatter [tilespmem:s3], [sflag:$0x3], $0x1000, $0x38;
	[tilespmem:$0x1F800] =	vst v63  }
0x31: {  	_ =	swait.ge [sflag:s30], $0x1000  }
0x32: {  	[sflag:s30] =	ssyncset.done $0x0  }
0x33: {  	s9 =	rddreg [dreg:$0x7];
	[sflag:s30] =	ssyncadd.s32 $0xFFFFF000  }
0x34: {  	[spmem:s9] =	stream.linear.scatter [tilespmem:s3], [sflag:$0x3], $0x1000, $0x38;
	[tilespmem:$0x1F800] =	vst v63  }
0x35: {  	_ =	swait.ge [sflag:s30], $0x1000  }
0x36: {  	[sflag:s30] =	ssyncset.done $0x0  }
0x37: {  	s10 =	rddreg [dreg:$0x8];
	[sflag:s30] =	ssyncadd.s32 $0xFFFFF000  }
0x38: {  	[spmem:s10] =	stream.linear.scatter [tilespmem:s3], [sflag:$0x3], $0x1000, $0x38;
	[tilespmem:$0x1F800] =	vst v63  }
0x39: {  	_ =	swait.ge [sflag:s30], $0x1000  }
0x3a: {  	[sflag:s30] =	ssyncset.done $0x0  }
0x3b: {  	s11 =	rddreg [dreg:$0x9];
	[sflag:s30] =	ssyncadd.s32 $0xFFFFF000  }
0x3c: {  	[spmem:s11] =	stream.linear.scatter [tilespmem:s3], [sflag:$0x3], $0x1000, $0x38;
	[tilespmem:$0x1F800] =	vst v63  }
0x3d: {  	_ =	swait.ge [sflag:s30], $0x1000  }
0x3e: {  	[sflag:s30] =	ssyncset.done $0x0  }
0x3f: {  	s12 =	rddreg [dreg:$0xa];
	[sflag:s30] =	ssyncadd.s32 $0xFFFFF000  }
0x40: {  	[spmem:s12] =	stream.linear.scatter [tilespmem:s3], [sflag:$0x3], $0x1000, $0x38;
	[tilespmem:$0x1F800] =	vst v63  }
0x41: {  	_ =	swait.ge [sflag:s30], $0x1000  }
0x42: {  	[sflag:s30] =	ssyncset.done $0x0  }
0x43: {  	s13 =	rddreg [dreg:$0xb];
	[sflag:s30] =	ssyncadd.s32 $0xFFFFF000  }
0x44: {  	[spmem:s13] =	stream.linear.scatter [tilespmem:s3], [sflag:$0x3], $0x1000, $0x38;
	[tilespmem:$0x1F800] =	vst v63  }
0x45: {  	_ =	swait.ge [sflag:s30], $0x1000  }
0x46: {  	[sflag:s30] =	ssyncset.done $0x0  }
0x47: {  	s14 =	rddreg [dreg:$0xc];
	[sflag:s30] =	ssyncadd.s32 $0xFFFFF000  }
0x48: {  	[spmem:s14] =	stream.linear.scatter [tilespmem:s3], [sflag:$0x3], $0x1000, $0x38;
	[tilespmem:$0x1F800] =	vst v63  }
0x49: {  	_ =	swait.ge [sflag:s30], $0x1000  }
0x4a: {  	[sflag:s30] =	ssyncset.done $0x0  }
0x4b: {  	s15 =	rddreg [dreg:$0xd];
	[sflag:s30] =	ssyncadd.s32 $0xFFFFF000  }
0x4c: {  	[spmem:s15] =	stream.linear.scatter [tilespmem:s3], [sflag:$0x3], $0x1000, $0x38;
	[tilespmem:$0x1F800] =	vst v63  }
0x4d: {  	_ =	swait.ge [sflag:s30], $0x1000  }
0x4e: {  	[sflag:s30] =	ssyncset.done $0x0  }
0x4f: {  	s16 =	rddreg [dreg:$0xe];
	[sflag:s30] =	ssyncadd.s32 $0xFFFFF000  }
0x50: {  	[spmem:s16] =	stream.linear.scatter [tilespmem:s3], [sflag:$0x3], $0x1000, $0x38;
	[tilespmem:$0x1F800] =	vst v63  }
0x51: {  	_ =	swait.ge [sflag:s30], $0x1000  }
0x52: {  	[sflag:s30] =	ssyncset.done $0x0  }
0x53: {  	[sflag:s30] =	ssyncadd.s32 $0xFFFFF000  }
0x54: {  	[spmem:s18] =	stream.linear.scatter [tilespmem:s3], [sflag:$0x3], $0x1000, $0x38;
	[tilespmem:$0x1F800] =	vst v63  }
0x55: {  	_ =	swait.ge [sflag:s30], $0x1000  }
0x56: {  	[sflag:s30] =	ssyncset.done $0x0  }
0x57: {  	[sflag:s30] =	ssyncadd.s32 $0xFFFFF000  }
0x58: {  	[spmem:s19] =	stream.linear.scatter [tilespmem:s3], [sflag:$0x3], $0x1000, $0x38;
	[tilespmem:$0x1F800] =	vst v63  }
0x59: {  	_ =	swait.ge [sflag:s30], $0x1000  }
0x5a: {  	[sflag:s30] =	ssyncset.done $0x0  }
0x5b: {  	[sflag:s30] =	ssyncadd.s32 $0xFFFFF000  }
0x5c: {  	[spmem:s20] =	stream.linear.scatter [tilespmem:s3], [sflag:$0x3], $0x1000, $0x38;
	[tilespmem:$0x1F800] =	vst v63  }
0x5d: {  	_ =	swait.ge [sflag:s30], $0x1000  }
0x5e: {  	[sflag:s30] =	ssyncset.done $0x0  }
0x5f: {  	[sflag:s30] =	ssyncadd.s32 $0xFFFFF000  }
0x60: {  	[spmem:s21] =	stream.linear.scatter [tilespmem:s3], [sflag:$0x3], $0x1000, $0x38;
	[tilespmem:$0x1F800] =	vst v63  }
0x61: {  	_ =	swait.ge [sflag:s30], $0x1000  }
0x62: {  	[sflag:s30] =	ssyncset.done $0x0  }
0x63: {  	[sflag:s30] =	ssyncadd.s32 $0xFFFFF000  }
0x64: {  	[spmem:s22] =	stream.linear.scatter [tilespmem:s3], [sflag:$0x3], $0x1000, $0x38;
	[tilespmem:$0x1F800] =	vst v63  }
0x65: {  	_ =	swait.ge [sflag:s30], $0x1000  }
0x66: {  	[sflag:s30] =	ssyncset.done $0x0  }
0x67: {  	[sflag:s30] =	ssyncadd.s32 $0xFFFFF000  }
0x68: {  	[spmem:s23] =	stream.linear.scatter [tilespmem:s3], [sflag:$0x3], $0x1000, $0x38;
	[tilespmem:$0x1F800] =	vst v63  }
0x69: {  	_ =	swait.ge [sflag:s30], $0x1000  }
0x6a: {  	[sflag:s30] =	ssyncset.done $0x0  }
0x6b: {  	[sflag:s30] =	ssyncadd.s32 $0xFFFFF000  }
0x6c: {  	[spmem:s24] =	stream.linear.scatter [tilespmem:s3], [sflag:$0x3], $0x1000, $0x38;
	[tilespmem:$0x1F800] =	vst v63  }
0x6d: {  	_ =	swait.ge [sflag:s30], $0x1000  }
0x6e: {  	[sflag:s30] =	ssyncset.done $0x0  }
0x6f: {  	[sflag:s30] =	ssyncadd.s32 $0xFFFFF000  }
0x70: {  	[spmem:s25] =	stream.linear.scatter [tilespmem:s3], [sflag:$0x3], $0x1000, $0x38;
	[tilespmem:$0x1F800] =	vst v63  }
0x71: {  	_ =	swait.ge [sflag:s30], $0x1000  }
0x72: {  	[sflag:s30] =	ssyncset.done $0x0  }
0x73: {  	[sflag:s30] =	ssyncadd.s32 $0xFFFFF000  }
0x74: {  	[spmem:s26] =	stream.linear.scatter [tilespmem:s3], [sflag:$0x3], $0x1000, $0x38;
	[tilespmem:$0x1F800] =	vst v63  }
0x75: {  	_ =	swait.ge [sflag:s30], $0x1000  }
0x76: {  	[sflag:s30] =	ssyncset.done $0x0  }
0x77: {  	[sflag:s30] =	ssyncadd.s32 $0xFFFFF000  }
0x78: {  	[spmem:s28] =	stream.linear.scatter [tilespmem:s3], [sflag:$0x3], $0x1000, $0x38;
	[tilespmem:$0x1F800] =	vst v63  }
0x79: {  	_ =	swait.ge [sflag:s30], $0x1000  }
0x7a: {  	[sflag:s30] =	ssyncset.done $0x0  }
0x7b: {  	[sflag:s30] =	ssyncadd.s32 $0xFFFFF000  }
0x7c: {  	[spmem:s29] =	stream.linear.scatter [tilespmem:s3], [sflag:$0x3], $0x1000, $0x38;
	[tilespmem:$0x1F800] =	vst v63  }
0x7d: {  	_ =	swait.ge [sflag:s30], $0x1000  }
0x7e: {  	s17 =	simm.s32 $0x0;
	[sflag:s30] =	ssyncset.done $0x0  }
0x7f: {  	s8 =	sand.u32 $0x1, s17;
	[sflag:s30] =	ssyncadd.s32 $0xFFFFF000  }
0x80: {  	s9 =	sadd.s32 $0x1, s8;
	[bflag:$0x0] =	sbarrier.arrive $0xFFFF  }
0x81: {  	s7 =	simm.s32 $0x1;
	_ =	swait.ge [sflag:s9], $0x4000  }
0x82: {  	p0 =	por $0x0, $0x0;
	s8 =	sshll.u32 s8, $0xE;
	[sflag:s9] =	ssyncset.done $0x0  }
0x83: {  	s10 =	simm.s32 $0x1400;
	s12 =	sor.u32 $0x2800, s8;
	[sflag:s9] =	ssyncadd.s32 $0xFFFFC000  }
0x84: {  	[spmem:s2] =	stream.indirect.scatter.add.f32 [tilespmem:s12], [sflag:$0x3], $0x80, s10, s31, $0xb8;
	[tilespmem:$0x1F800] =	vst v63  }
0x85: {  	s11 =	simm.s32 $0x2;
	s8 =	simm.s32 $0x1480;
	_ =	swait.ge [sflag:s30], $0x4000  }
0x86: {  	s13 =	sand.u32 $0x1, s7;
	s14 =	simm.s32 @!p0 $0x80;
	[sflag:s30] =	ssyncset.done $0x0  }
.LBB2_4:
0x87: {  	s15 =	sadd.s32 $0x1, s13  }
0x88: {  	[sflag:s30] =	ssyncadd.s32 $0xFFFFC000;
	s16 =	sadd.s32 @!p0 $0xFFFFED00, s10;
	s17 =	smov.u32 s7  }
0x89: {  	s7 =	smov.u32 s11;
	s10 =	smov.u32 s8;
	s11 =	sadd.s32 $0x1, s11  }
0x8a: {  	[tilespmem:s12], [sflag:s9] =	stream.indirect.gather @!p0 [hbm4b:s4+s14], $0x80, s16, s14, $0xb8;
	[tilespmem:$0x1F800] =	vst v63  }
0x8b: {  	s9 =	smov.u32 s15;
	p1 =	sne.s32 s11, $0x28;
	_ =	swait.ge [sflag:s15], $0x4000  }
.Ltmp1:
0x8c: {  	s12 =	sshll.u32 s13, $0xE;
	[sflag:s9] =	ssyncset.done $0x0;
	(pc) =	sbr.rel @p1 .LBB2_4-.Ltmp1, $4  }
0x8d: {  	s12 =	sor.u32 $0x2800, s12;
	[sflag:s9] =	ssyncadd.s32 $0xFFFFC000  }
0x8e: {  	[spmem:s2] =	stream.indirect.scatter.add.f32 [tilespmem:s12], [sflag:$0x3], $0x80, s8, s31, $0xb8;
	[tilespmem:$0x1F800] =	vst v63  }
0x8f: {  	p0 =	sgt.u32 s17, $0x25;
	s8 =	sadd.s32 $0x80, s8;
	_ =	swait.ge [sflag:s30], $0x4000  }
0x90: {  	s13 =	sand.u32 $0x1, s7;
	s14 =	simm.s32 @!p0 $0x80;
	[sflag:s30] =	ssyncset.done $0x0  }
0x91: {  	s11 =	sadd.s32 $0x1, s13;
	[sflag:s30] =	ssyncadd.s32 $0xFFFFC000;
	s10 =	sadd.s32 @!p0 $0xFFFFED00, s10  }
0x92: {  	[tilespmem:s12], [sflag:s9] =	stream.indirect.gather @!p0 [hbm4b:s4+s14], $0x80, s10, s14, $0xb8;
	[tilespmem:$0x1F800] =	vst v63  }
0x93: {  	_ =	swait.ge [sflag:s11], $0x4000  }
0x94: {  	s14 =	sshll.u32 s13, $0xE;
	[sflag:s11] =	ssyncset.done $0x0  }
0x95: {  	s9 =	sor.u32 $0x2800, s14;
	[sflag:s11] =	ssyncadd.s32 $0xFFFFC000  }
0x96: {  	[spmem:s2] =	stream.indirect.scatter.add.f32 [tilespmem:s9], [sflag:$0x3], $0x80, s8, s31, $0xb8;
	[tilespmem:$0x1F800] =	vst v63  }
0x97: {  	_ =	swait.ge [sflag:s30], $0x4000  }
0x98: {  	p0 =	sgt.u32 s7, $0x25;
	[sflag:s30] =	ssyncset.done $0x0  }
0x99: {  	s7 =	simm.s32 @!p0 $0x80;
	s8 =	sadd.s32 @!p0 $0xFFFFED00, s8;
	[sflag:s30] =	ssyncadd.s32 $0xFFFFC000  }
0x9a: {  	[tilespmem:s9], [sflag:s11] =	stream.indirect.gather @!p0 [hbm4b:s4+s7], $0x80, s8, s7, $0xb8;
	[tilespmem:$0x1F800] =	vst v63  }
0x9b: {  	s15 =	simm.s32 $0x0;
	s16 =	rddreg [dreg:$0x4]  }
0x9c: {  	[tilespmem:s15], [sflag:$0x3] =	stream.linear.gather [hbm4b:s16+s15], $0x2800, $0x38;
	[tilespmem:$0x1F800] =	vst v63  }
0x9d: {  	_ =	swait.ge [sflag:s30], $0x2800  }
0x9e: {  	[sflag:s30] =	ssyncset.done $0x0  }
0x9f: {  	s17 =	sand.u32 $0x1, s15;
	[sflag:s30] =	ssyncadd.s32 $0xFFFFD800  }
0xa0: {  	[tilespmem:s1], [sflag:$0x1] =	stream.indirect.gather [hbm4b:s4+s31], $0x80, s15, s31, $0xb8;
	[tilespmem:$0x1F800] =	vst v63  }
0xa1: {  	s9 =	sadd.s32 $0x1, s17  }
0xa2: {  	[tilespmem:s0], [sflag:$0x2] =	stream.indirect.gather [hbm4b:s4+s31], $0x80, s31, s31, $0xb8;
	[tilespmem:$0x1F800] =	vst v63  }
0xa3: {  	s10 =	simm.s32 $0x1400;
	_ =	swait.ge [sflag:s9], $0x4000  }
0xa4: {  	s7 =	simm.s32 $0x1;
	s8 =	sshll.u32 s17, $0xE;
	[sflag:s9] =	ssyncset.done $0x0  }
0xa5: {  	s11 =	simm.s32 $0x2;
	s12 =	sor.u32 $0x2800, s8;
	[sflag:s9] =	ssyncadd.s32 $0xFFFFC000  }
0xa6: {  	[spmem:s2] =	stream.indirect.scatter.add.f32 [tilespmem:s12], [sflag:$0x3], $0x80, s10, s31, $0xb8;
	[tilespmem:$0x1F800] =	vst v63  }
0xa7: {  	p0 =	por $0x0, $0x0;
	s8 =	simm.s32 $0x1480;
	_ =	swait.ge [sflag:s30], $0x4000  }
0xa8: {  	s13 =	sand.u32 $0x1, s7;
	s14 =	simm.s32 @!p0 $0x80;
	[sflag:s30] =	ssyncset.done $0x0  }
.LBB2_6:
0xa9: {  	s15 =	sadd.s32 $0x1, s13  }
0xaa: {  	[sflag:s30] =	ssyncadd.s32 $0xFFFFC000;
	s16 =	sadd.s32 @!p0 $0xFFFFED00, s10;
	s17 =	smov.u32 s7  }
0xab: {  	s7 =	smov.u32 s11;
	s10 =	smov.u32 s8;
	s11 =	sadd.s32 $0x1, s11  }
0xac: {  	[tilespmem:s12], [sflag:s9] =	stream.indirect.gather @!p0 [hbm4b:s4+s14], $0x80, s16, s14, $0xb8;
	[tilespmem:$0x1F800] =	vst v63  }
0xad: {  	s9 =	smov.u32 s15;
	p1 =	sne.s32 s11, $0x28;
	_ =	swait.ge [sflag:s15], $0x4000  }
.Ltmp2:
0xae: {  	s12 =	sshll.u32 s13, $0xE;
	[sflag:s9] =	ssyncset.done $0x0;
	(pc) =	sbr.rel @p1 .LBB2_6-.Ltmp2, $4  }
0xaf: {  	s12 =	sor.u32 $0x2800, s12;
	[sflag:s9] =	ssyncadd.s32 $0xFFFFC000  }
0xb0: {  	[spmem:s2] =	stream.indirect.scatter.add.f32 [tilespmem:s12], [sflag:$0x3], $0x80, s8, s31, $0xb8;
	[tilespmem:$0x1F800] =	vst v63  }
0xb1: {  	p0 =	sgt.u32 s17, $0x25;
	s8 =	sadd.s32 $0x80, s8;
	_ =	swait.ge [sflag:s30], $0x4000  }
0xb2: {  	s13 =	sand.u32 $0x1, s7;
	s14 =	simm.s32 @!p0 $0x80;
	[sflag:s30] =	ssyncset.done $0x0  }
0xb3: {  	s11 =	sadd.s32 $0x1, s13;
	[sflag:s30] =	ssyncadd.s32 $0xFFFFC000;
	s10 =	sadd.s32 @!p0 $0xFFFFED00, s10  }
0xb4: {  	[tilespmem:s12], [sflag:s9] =	stream.indirect.gather @!p0 [hbm4b:s4+s14], $0x80, s10, s14, $0xb8;
	[tilespmem:$0x1F800] =	vst v63  }
0xb5: {  	_ =	swait.ge [sflag:s11], $0x4000  }
0xb6: {  	s13 =	sshll.u32 s13, $0xE;
	[sflag:s11] =	ssyncset.done $0x0  }
0xb7: {  	s9 =	sor.u32 $0x2800, s13;
	[sflag:s11] =	ssyncadd.s32 $0xFFFFC000  }
0xb8: {  	[spmem:s2] =	stream.indirect.scatter.add.f32 [tilespmem:s9], [sflag:$0x3], $0x80, s8, s31, $0xb8;
	[tilespmem:$0x1F800] =	vst v63  }
0xb9: {  	_ =	swait.ge [sflag:s30], $0x4000  }
0xba: {  	p0 =	sgt.u32 s7, $0x25;
	s14 =	stileid.u32;
	[sflag:s30] =	ssyncset.done $0x0  }
0xbb: {  	s7 =	simm.s32 @!p0 $0x80;
	s8 =	sadd.s32 @!p0 $0xFFFFED00, s8;
	[sflag:s30] =	ssyncadd.s32 $0xFFFFC000  }
0xbc: {  	[tilespmem:s9], [sflag:s11] =	stream.indirect.gather @!p0 [hbm4b:s4+s7], $0x80, s8, s7, $0xb8;
	[tilespmem:$0x1F800] =	vst v63  }
0xbd: {  	s7 =	sshll.u32 s14, $0x6;
	[bflag:$0x0] =	sbarrier.arrive $0xFFFF  }
0xbe: {  	s15 =	sshrl.u32 s6, $0x3;
	s7 =	sor.u32 $0x1C03, s7;
	s16 =	rddreg [dreg:$0x5]  }
0xbf: {  	[hbm:s16], [sflag:s7] =	dma.local [spmem:s15], $0x2800  }
0xc0: {  	_ =	swait.ge [sflag:s30], $0x2800  }
0xc1: {  	s5 =	sadd.s32 $0x1, s5;
	s17 =	rddreg [dreg:$0x6]  }
0xc2: {  	p0 =	sne.s32 s5, s17  }
.Ltmp3:
0xc3: {  	_ = 	snop;
	(pc) =	sbr.rel @p0 .LBB2_1-.Ltmp3, $3  }
0xc4: {  	_ =	sdelay $0x1  }
0xc5: {  	[sflag:s30] =	ssyncset.done $0x0  }
0xc6: {  	[sflag:s30] =	ssyncadd.s32 $0xFFFFD800  }
0xc7: {  	_ =	sfence.sel $0x180000  }
0xc8: {  	[bflag:$0x0] =	sbarrier.arrive $0xFFFF  }
0xc9: {  	_ =	strace $0x90000047  }
0xca: {  	s0 =	stileid.u32;
	[bflag:$0x2] =	sbarrier.arrive $0xFFFF  }
0xcb: {  	p0 =	sne.s32 s0, $0x0;
	s0 =	rddreg [dreg:$0x2]  }
0xcc: {  	s0 =	sadd.s32 @!p0 $0x100000, s0  }
0xcd: {  	[sflag:s0] =	ssyncadd.tile.s32 @!p0 $0x1;
	_ =	shalt  }
.Lfunc_end2:
_tile_overlayer_lowered:
.L_overlay_start_2:
0xce: {  	(tag) =	ssettag $0x2  }
0xcf: {  	s0 =	rddreg [dreg:$0x0];
	s2 =	stileid.u32  }
0xd0: {  	s1 =	rddreg [dreg:$0x1];
	p0 =	sne.s32 s2, $0x0  }
0xd1: {  	s3 =	rddreg [dreg:$0x2];
	[bflag:$0x3] =	sbarrier.arrive $0xFFFF;
	s2 =	simm.s32 @!p0 $0x1C03  }
0xd2: {  	[timem:s3], [sflag:s2] =	dma.local @!p0 [hbm:s0], s1  }
0xd3: {  	s0 =	simm.s32 @!p0 $0x3  }
0xd4: {  	_ =	swait.ge @!p0 [sflag:s0], s1  }
0xd5: {  	s1 =	ssub.s32 @!p0 $0x0, s1;
	[sflag:s0] =	ssyncset.done @!p0 $0x0  }
0xd6: {  	[sflag:s0] =	ssyncadd.s32 @!p0 s1  }
0xd7: {  	[bflag:$0x3] =	sbarrier.arrive $0xFFFF  }
0xd8: {  	_ =	shalt  }

</sc_bundles>
